<compile_context>
chip_gen: v7x
topology: tpu7x:2x2x1
jax: 0.10.2.dev20260603
libtpu: 0.0.44.dev20260713+nightly
codegen_flags: <defaults>
</compile_context>

<pallas_src>
import functools

import jax
import jax.numpy as jnp
from jax import lax
from jax.experimental import pallas as pl
from jax.experimental.pallas import tpu as pltpu
from jax.experimental.pallas import tpu_sc as plsc

LOG2_L = 24
L_IN = 1 << LOG2_L
N_OUT = L_IN * 2
BLK = 1 << 21
NC = 2
NS = 16
NW = NC * NS
W_ELEMS = L_IN // NW
SUB_PER_BLK = BLK // W_ELEMS

NBUF = 3
DCH = 1 << 15
ZCH = 1 << 14
N_DATA_ITER = W_ELEMS // DCH
N_ZERO_ITER = W_ELEMS // ZCH


@functools.partial(
    pl.kernel,
    mesh=plsc.VectorSubcoreMesh(core_axis_name="c", subcore_axis_name="s"),
    out_type=jax.ShapeDtypeStruct((N_OUT,), jnp.float32),
    scratch_types=(
        [pltpu.VMEM((DCH,), jnp.float32) for _ in range(NBUF)]
        + [pltpu.VMEM((ZCH,), jnp.float32)]
        + [pltpu.SemaphoreType.DMA for _ in range(2 * NBUF + 1)]
    ),
)
def _add_ancilla_sc(psi_hbm, out_hbm, *scratch):
    dbufs = scratch[:NBUF]
    zbuf = scratch[NBUF]
    sem_in = scratch[NBUF + 1 : NBUF + 1 + NBUF]
    sem_out = scratch[NBUF + 1 + NBUF : NBUF + 1 + 2 * NBUF]
    sem_z = scratch[NBUF + 1 + 2 * NBUF]

    c = lax.axis_index("c")
    s = lax.axis_index("s")
    wid = s * NC + c

    h = wid // SUB_PER_BLK
    sub = wid % SUB_PER_BLK
    src_base = wid * W_ELEMS
    dst_base = h * (2 * BLK) + sub * W_ELEMS
    zdst_base = h * (2 * BLK) + BLK + sub * W_ELEMS

    def start_in(i):
        b = i % NBUF
        return pltpu.async_copy(
            psi_hbm.at[pl.ds(src_base + i * DCH, DCH)], dbufs[b], sem_in[b])

    def start_out(i):
        b = i % NBUF
        return pltpu.async_copy(
            dbufs[b], out_hbm.at[pl.ds(dst_base + i * DCH, DCH)], sem_out[b])

    in_h = {j: start_in(j) for j in range(NBUF)}

    zeros16 = jnp.zeros((16,), jnp.float32)

    def zfill(i, carry):
        zbuf[pl.ds(i * 16, 16)] = zeros16
        return carry

    lax.fori_loop(0, ZCH // 16, zfill, 0)

    Z_PER_ITER = N_ZERO_ITER // N_DATA_ITER
    out_h = {}
    z_h = []
    for i in range(N_DATA_ITER):
        in_h[i].wait()
        out_h[i] = start_out(i)
        for k in range(Z_PER_ITER):
            z = i * Z_PER_ITER + k
            z_h.append(pltpu.async_copy(
                zbuf, out_hbm.at[pl.ds(zdst_base + z * ZCH, ZCH)], sem_z))
        if i + NBUF < N_DATA_ITER:
            out_h[i].wait()
            in_h[i + NBUF] = start_in(i + NBUF)

    for i in range(N_DATA_ITER - NBUF, N_DATA_ITER):
        out_h[i].wait()
    for hz in z_h:
        hz.wait()


def kernel(psi):
    return _add_ancilla_sc(psi)

# --- scband reference (transcript-rebuilt; emitter-appended) ---
"""Pipeline reference for scband-add-ancilla-15444702397000 (READ-ONLY COPY).

The authoritative reference and input builder live on the scoring server;
editing this copy changes nothing except your own understanding.
"""

import jax, jax.numpy as jnp
import numpy as np

L = 2 ** 24  # input statevector length (24 qubits)
P = 3        # ancilla qubit position (counted from most-significant qubit)


def _split_indices(N, p):
    # Replicates gate_implementation.split_by_bits(N, [p]):
    # returns basis-state indices where qubit p (from MSB) is 0, and where it is 1.
    n = int(np.log2(N))
    b = n - 1 - p  # bit index from LSB
    low = jnp.arange(N // 2, dtype=jnp.int32)
    zero_idx = ((low >> b) << (b + 1)) | (low & ((1 << b) - 1))
    one_idx = zero_idx | (1 << b)
    return zero_idx, one_idx


def setup_inputs(seed: int = 0) -> dict:
    key = jax.random.key(seed)
    psi = jax.random.normal(key, (L,), dtype=jnp.float32)
    return {"psi": psi}


def reference(psi):
    # AddAncilla.apply: psi_out = zeros(2*len(psi)); psi_out[_0] += psi
    N = 2 * psi.shape[0]
    zero_idx, _one_idx = _split_indices(N, P)
    psi_out = jnp.zeros((N,) + psi.shape[1:], dtype=psi.dtype)
    psi_out = psi_out.at[zero_idx].add(psi)
    return psi_out

if __name__ == "__main__":
    import jax
    _d = setup_inputs()
    print(jax.jit(kernel)(*tuple(_d.values())))

</pallas_src>

<mosaic_0001>
#map = affine_map<(d0, d1) -> (0)>
module attributes {stable_mosaic.version = 14 : i64} {
  func.func @_add_ancilla_sc(%arg0: i32, %arg1: i32, %arg2: memref<16777216xf32, #tpu.memory_space<hbm>>, %arg3: memref<33554432xf32, #tpu.memory_space<hbm>>, %arg4: memref<32768xf32, #tpu.memory_space<vmem>>, %arg5: memref<32768xf32, #tpu.memory_space<vmem>>, %arg6: memref<32768xf32, #tpu.memory_space<vmem>>, %arg7: memref<16384xf32, #tpu.memory_space<vmem>>, %arg8: memref<!tpu.dma_semaphore, #tpu.memory_space<semaphore_mem>>, %arg9: memref<!tpu.dma_semaphore, #tpu.memory_space<semaphore_mem>>, %arg10: memref<!tpu.dma_semaphore, #tpu.memory_space<semaphore_mem>>, %arg11: memref<!tpu.dma_semaphore, #tpu.memory_space<semaphore_mem>>, %arg12: memref<!tpu.dma_semaphore, #tpu.memory_space<semaphore_mem>>, %arg13: memref<!tpu.dma_semaphore, #tpu.memory_space<semaphore_mem>>, %arg14: memref<!tpu.dma_semaphore, #tpu.memory_space<semaphore_mem>>) attributes {dimension_semantics = [#tpu.dimension_semantics<core_parallel>, #tpu.dimension_semantics<subcore_parallel>], iteration_bounds = array<i64: 2, 16>, scalar_prefetch = 0 : i64, scratch_operands = 11 : i64, tpu.core_type = #tpu.core_type<sc_vector_subcore>, window_params = [{transform_indices = #map}, {transform_indices = #map}]} {
    %mul3A = arith.constant 2 : i32
    %mul3A_0 = arith.muli %arg1, %mul3A : i32
    %add3A = arith.addi %mul3A_0, %arg0 : i32
    %jit3A = arith.constant 4 : i32
    %div3A = arith.divsi %add3A, %jit3A : i32
    %sign3A = arith.constant 0 : i32
    %sign3A_1 = arith.cmpi sgt, %add3A, %sign3A : i32
    %sign3A_2 = arith.extui %sign3A_1 : i1 to i32
    %sign3A_3 = arith.constant 0 : i32
    %sign3A_4 = arith.cmpi slt, %add3A, %sign3A_3 : i32
    %sign3A_5 = arith.extui %sign3A_4 : i1 to i32
    %sign3A_6 = arith.subi %sign3A_2, %sign3A_5 : i32
    %sign3A_7 = arith.constant 0 : i32
    %sign3A_8 = arith.cmpi sgt, %jit3A, %sign3A_7 : i32
    %sign3A_9 = arith.extui %sign3A_8 : i1 to i32
    %sign3A_10 = arith.constant 0 : i32
    %sign3A_11 = arith.cmpi slt, %jit3A, %sign3A_10 : i32
    %sign3A_12 = arith.extui %sign3A_11 : i1 to i32
    %sign3A_13 = arith.subi %sign3A_9, %sign3A_12 : i32
    %ne3A = arith.cmpi ne, %sign3A_6, %sign3A_13 : i32
    %rem3A = arith.remsi %add3A, %jit3A : i32
    %ne3A_14 = arith.constant 0 : i32
    %ne3A_15 = arith.cmpi ne, %rem3A, %ne3A_14 : i32
    %and3A = arith.andi %ne3A, %ne3A_15 : i1
    %sub3A = arith.constant 1 : i32
    %sub3A_16 = arith.subi %div3A, %sub3A : i32
    %select_n3A = arith.select %and3A, %sub3A_16, %div3A : i32
    %jit3A_17 = arith.constant 4 : i32
    %eq3A = arith.constant 0 : i32
    %eq3A_18 = arith.cmpi eq, %jit3A_17, %eq3A : i32
    %jit3A_19 = arith.constant 1 : i32
    %select_n3A_20 = arith.select %eq3A_18, %jit3A_19, %jit3A_17 : i32
    %rem3A_21 = arith.remsi %add3A, %select_n3A_20 : i32
    %ne3A_22 = arith.constant 0 : i32
    %ne3A_23 = arith.cmpi ne, %rem3A_21, %ne3A_22 : i32
    %lt3A = arith.constant 0 : i32
    %lt3A_24 = arith.cmpi slt, %rem3A_21, %lt3A : i32
    %lt3A_25 = arith.constant 0 : i32
    %lt3A_26 = arith.cmpi slt, %select_n3A_20, %lt3A_25 : i32
    %ne3A_27 = arith.xori %lt3A_24, %lt3A_26 : i1
    %and3A_28 = arith.andi %ne3A_27, %ne3A_23 : i1
    %add3A_29 = arith.addi %rem3A_21, %select_n3A_20 : i32
    %select_n3A_30 = arith.select %and3A_28, %add3A_29, %rem3A_21 : i32
    %mul3A_31 = arith.constant 524288 : i32
    %mul3A_32 = arith.muli %add3A, %mul3A_31 : i32
    %mul3A_33 = arith.constant 4194304 : i32
    %mul3A_34 = arith.muli %select_n3A, %mul3A_33 : i32
    %mul3A_35 = arith.constant 524288 : i32
    %mul3A_36 = arith.muli %select_n3A_30, %mul3A_35 : i32
    %add3A_37 = arith.addi %mul3A_34, %mul3A_36 : i32
    %mul3A_38 = arith.constant 4194304 : i32
    %mul3A_39 = arith.muli %select_n3A, %mul3A_38 : i32
    %add3A_40 = arith.constant 2097152 : i32
    %add3A_41 = arith.addi %mul3A_39, %add3A_40 : i32
    %mul3A_42 = arith.constant 524288 : i32
    %mul3A_43 = arith.muli %select_n3A_30, %mul3A_42 : i32
    %add3A_44 = arith.addi %add3A_41, %mul3A_43 : i32
    %add3A_45 = arith.constant 0 : i32
    %add3A_46 = arith.addi %mul3A_32, %add3A_45 : i32
    %dma_start3A = tpu.memref_slice %arg2[%add3A_46] : memref<16777216xf32, #tpu.memory_space<hbm>> -> memref<32768xf32, #tpu.memory_space<hbm>>
    %dma_start3A_47 = tpu.memref_slice %arg2[%add3A_46] : memref<16777216xf32, #tpu.memory_space<hbm>> -> memref<32768xf32, #tpu.memory_space<hbm>>
    tpu.enqueue_dma source(%dma_start3A_47 : memref<32768xf32, #tpu.memory_space<hbm>>) target(%arg4 : memref<32768xf32, #tpu.memory_space<vmem>>) target_semaphore(%arg8 : memref<!tpu.dma_semaphore, #tpu.memory_space<semaphore_mem>>)
    %add3A_48 = arith.constant 32768 : i32
    %add3A_49 = arith.addi %mul3A_32, %add3A_48 : i32
    %dma_start3A_50 = tpu.memref_slice %arg2[%add3A_49] : memref<16777216xf32, #tpu.memory_space<hbm>> -> memref<32768xf32, #tpu.memory_space<hbm>>
    %dma_start3A_51 = tpu.memref_slice %arg2[%add3A_49] : memref<16777216xf32, #tpu.memory_space<hbm>> -> memref<32768xf32, #tpu.memory_space<hbm>>
    tpu.enqueue_dma source(%dma_start3A_51 : memref<32768xf32, #tpu.memory_space<hbm>>) target(%arg5 : memref<32768xf32, #tpu.memory_space<vmem>>) target_semaphore(%arg9 : memref<!tpu.dma_semaphore, #tpu.memory_space<semaphore_mem>>)
    %add3A_52 = arith.constant 65536 : i32
    %add3A_53 = arith.addi %mul3A_32, %add3A_52 : i32
    %dma_start3A_54 = tpu.memref_slice %arg2[%add3A_53] : memref<16777216xf32, #tpu.memory_space<hbm>> -> memref<32768xf32, #tpu.memory_space<hbm>>
    %dma_start3A_55 = tpu.memref_slice %arg2[%add3A_53] : memref<16777216xf32, #tpu.memory_space<hbm>> -> memref<32768xf32, #tpu.memory_space<hbm>>
    tpu.enqueue_dma source(%dma_start3A_55 : memref<32768xf32, #tpu.memory_space<hbm>>) target(%arg6 : memref<32768xf32, #tpu.memory_space<vmem>>) target_semaphore(%arg10 : memref<!tpu.dma_semaphore, #tpu.memory_space<semaphore_mem>>)
    %broadcast_in_dim3A = arith.constant 0.000000e+00 : f32
    %broadcast_in_dim3A_56 = vector.broadcast %broadcast_in_dim3A : f32 to vector<16xf32>
    %scan3A = arith.constant 0 : i32
    %scan3A_57 = arith.constant 0 : i32
    %scan3A_58 = arith.constant 1024 : i32
    %scan3A_59 = arith.addi %scan3A_57, %scan3A_58 : i32
    %scan3A_60 = arith.constant 1 : i32
    scf.for %scan3A_433 = %scan3A_57 to %scan3A_59 step %scan3A_60  : i32 {
      %mul3A_434 = arith.constant 16 : i32
      %mul3A_435 = arith.muli %scan3A_433, %mul3A_434 : i32
      %swap3A = arith.index_cast %mul3A_435 : i32 to index
      %swap3A_436 = tpu.vector_load %arg7[%swap3A] {strides = array<i32>} : memref<16384xf32, #tpu.memory_space<vmem>>, vector<16xf32>,
      %swap3A_437 = vector.shape_cast %swap3A_436 : vector<16xf32> to vector<16xf32>
      %swap3A_438 = vector.shape_cast %broadcast_in_dim3A_56 : vector<16xf32> to vector<16xf32>
      tpu.vector_store %arg7[%swap3A], %swap3A_438 {strides = array<i32>} : memref<16384xf32, #tpu.memory_space<vmem>>, vector<16xf32>,
    }
    %scan3A_61 = arith.constant 1024 : i32
    %dma_wait3A = tpu.memref_slice %arg2[%add3A_46] : memref<16777216xf32, #tpu.memory_space<hbm>> -> memref<32768xf32, #tpu.memory_space<hbm>>
    %dma_wait3A_62 = tpu.memref_slice %arg2[%add3A_46] : memref<16777216xf32, #tpu.memory_space<hbm>> -> memref<32768xf32, #tpu.memory_space<hbm>>
    tpu.wait_dma2 semaphore(%arg8 : memref<!tpu.dma_semaphore, #tpu.memory_space<semaphore_mem>>) src(%dma_wait3A_62 : memref<32768xf32, #tpu.memory_space<hbm>>) dst(%arg4 : memref<32768xf32, #tpu.memory_space<vmem>>)
    %add3A_63 = arith.constant 0 : i32
    %add3A_64 = arith.addi %add3A_37, %add3A_63 : i32
    %dma_start3A_65 = tpu.memref_slice %arg3[%add3A_64] : memref<33554432xf32, #tpu.memory_space<hbm>> -> memref<32768xf32, #tpu.memory_space<hbm>>
    %dma_start3A_66 = tpu.memref_slice %arg3[%add3A_64] : memref<33554432xf32, #tpu.memory_space<hbm>> -> memref<32768xf32, #tpu.memory_space<hbm>>
    tpu.enqueue_dma source(%arg4 : memref<32768xf32, #tpu.memory_space<vmem>>) target(%dma_start3A_66 : memref<32768xf32, #tpu.memory_space<hbm>>) target_semaphore(%arg11 : memref<!tpu.dma_semaphore, #tpu.memory_space<semaphore_mem>>)
    %add3A_67 = arith.constant 0 : i32
    %add3A_68 = arith.addi %add3A_44, %add3A_67 : i32
    %dma_start3A_69 = tpu.memref_slice %arg3[%add3A_68] : memref<33554432xf32, #tpu.memory_space<hbm>> -> memref<16384xf32, #tpu.memory_space<hbm>>
    %dma_start3A_70 = tpu.memref_slice %arg3[%add3A_68] : memref<33554432xf32, #tpu.memory_space<hbm>> -> memref<16384xf32, #tpu.memory_space<hbm>>
    tpu.enqueue_dma source(%arg7 : memref<16384xf32, #tpu.memory_space<vmem>>) target(%dma_start3A_70 : memref<16384xf32, #tpu.memory_space<hbm>>) target_semaphore(%arg14 : memref<!tpu.dma_semaphore, #tpu.memory_space<semaphore_mem>>)
    %add3A_71 = arith.constant 16384 : i32
    %add3A_72 = arith.addi %add3A_44, %add3A_71 : i32
    %dma_start3A_73 = tpu.memref_slice %arg3[%add3A_72] : memref<33554432xf32, #tpu.memory_space<hbm>> -> memref<16384xf32, #tpu.memory_space<hbm>>
    %dma_start3A_74 = tpu.memref_slice %arg3[%add3A_72] : memref<33554432xf32, #tpu.memory_space<hbm>> -> memref<16384xf32, #tpu.memory_space<hbm>>
    tpu.enqueue_dma source(%arg7 : memref<16384xf32, #tpu.memory_space<vmem>>) target(%dma_start3A_74 : memref<16384xf32, #tpu.memory_space<hbm>>) target_semaphore(%arg14 : memref<!tpu.dma_semaphore, #tpu.memory_space<semaphore_mem>>)
    %dma_wait3A_75 = tpu.memref_slice %arg3[%add3A_64] : memref<33554432xf32, #tpu.memory_space<hbm>> -> memref<32768xf32, #tpu.memory_space<hbm>>
    %dma_wait3A_76 = tpu.memref_slice %arg3[%add3A_64] : memref<33554432xf32, #tpu.memory_space<hbm>> -> memref<32768xf32, #tpu.memory_space<hbm>>
    tpu.wait_dma2 semaphore(%arg11 : memref<!tpu.dma_semaphore, #tpu.memory_space<semaphore_mem>>) src(%arg4 : memref<32768xf32, #tpu.memory_space<vmem>>) dst(%dma_wait3A_76 : memref<32768xf32, #tpu.memory_space<hbm>>)
    %add3A_77 = arith.constant 98304 : i32
    %add3A_78 = arith.addi %mul3A_32, %add3A_77 : i32
    %dma_start3A_79 = tpu.memref_slice %arg2[%add3A_78] : memref<16777216xf32, #tpu.memory_space<hbm>> -> memref<32768xf32, #tpu.memory_space<hbm>>
    %dma_start3A_80 = tpu.memref_slice %arg2[%add3A_78] : memref<16777216xf32, #tpu.memory_space<hbm>> -> memref<32768xf32, #tpu.memory_space<hbm>>
    tpu.enqueue_dma source(%dma_start3A_80 : memref<32768xf32, #tpu.memory_space<hbm>>) target(%arg4 : memref<32768xf32, #tpu.memory_space<vmem>>) target_semaphore(%arg8 : memref<!tpu.dma_semaphore, #tpu.memory_space<semaphore_mem>>)
    %dma_wait3A_81 = tpu.memref_slice %arg2[%add3A_49] : memref<16777216xf32, #tpu.memory_space<hbm>> -> memref<32768xf32, #tpu.memory_space<hbm>>
    %dma_wait3A_82 = tpu.memref_slice %arg2[%add3A_49] : memref<16777216xf32, #tpu.memory_space<hbm>> -> memref<32768xf32, #tpu.memory_space<hbm>>
    tpu.wait_dma2 semaphore(%arg9 : memref<!tpu.dma_semaphore, #tpu.memory_space<semaphore_mem>>) src(%dma_wait3A_82 : memref<32768xf32, #tpu.memory_space<hbm>>) dst(%arg5 : memref<32768xf32, #tpu.memory_space<vmem>>)
    %add3A_83 = arith.constant 32768 : i32
    %add3A_84 = arith.addi %add3A_37, %add3A_83 : i32
    %dma_start3A_85 = tpu.memref_slice %arg3[%add3A_84] : memref<33554432xf32, #tpu.memory_space<hbm>> -> memref<32768xf32, #tpu.memory_space<hbm>>
    %dma_start3A_86 = tpu.memref_slice %arg3[%add3A_84] : memref<33554432xf32, #tpu.memory_space<hbm>> -> memref<32768xf32, #tpu.memory_space<hbm>>
    tpu.enqueue_dma source(%arg5 : memref<32768xf32, #tpu.memory_space<vmem>>) target(%dma_start3A_86 : memref<32768xf32, #tpu.memory_space<hbm>>) target_semaphore(%arg12 : memref<!tpu.dma_semaphore, #tpu.memory_space<semaphore_mem>>)
    %add3A_87 = arith.constant 32768 : i32
    %add3A_88 = arith.addi %add3A_44, %add3A_87 : i32
    %dma_start3A_89 = tpu.memref_slice %arg3[%add3A_88] : memref<33554432xf32, #tpu.memory_space<hbm>> -> memref<16384xf32, #tpu.memory_space<hbm>>
    %dma_start3A_90 = tpu.memref_slice %arg3[%add3A_88] : memref<33554432xf32, #tpu.memory_space<hbm>> -> memref<16384xf32, #tpu.memory_space<hbm>>
    tpu.enqueue_dma source(%arg7 : memref<16384xf32, #tpu.memory_space<vmem>>) target(%dma_start3A_90 : memref<16384xf32, #tpu.memory_space<hbm>>) target_semaphore(%arg14 : memref<!tpu.dma_semaphore, #tpu.memory_space<semaphore_mem>>)
    %add3A_91 = arith.constant 49152 : i32
    %add3A_92 = arith.addi %add3A_44, %add3A_91 : i32
    %dma_start3A_93 = tpu.memref_slice %arg3[%add3A_92] : memref<33554432xf32, #tpu.memory_space<hbm>> -> memref<16384xf32, #tpu.memory_space<hbm>>
    %dma_start3A_94 = tpu.memref_slice %arg3[%add3A_92] : memref<33554432xf32, #tpu.memory_space<hbm>> -> memref<16384xf32, #tpu.memory_space<hbm>>
    tpu.enqueue_dma source(%arg7 : memref<16384xf32, #tpu.memory_space<vmem>>) target(%dma_start3A_94 : memref<16384xf32, #tpu.memory_space<hbm>>) target_semaphore(%arg14 : memref<!tpu.dma_semaphore, #tpu.memory_space<semaphore_mem>>)
    %dma_wait3A_95 = tpu.memref_slice %arg3[%add3A_84] : memref<33554432xf32, #tpu.memory_space<hbm>> -> memref<32768xf32, #tpu.memory_space<hbm>>
    %dma_wait3A_96 = tpu.memref_slice %arg3[%add3A_84] : memref<33554432xf32, #tpu.memory_space<hbm>> -> memref<32768xf32, #tpu.memory_space<hbm>>
    tpu.wait_dma2 semaphore(%arg12 : memref<!tpu.dma_semaphore, #tpu.memory_space<semaphore_mem>>) src(%arg5 : memref<32768xf32, #tpu.memory_space<vmem>>) dst(%dma_wait3A_96 : memref<32768xf32, #tpu.memory_space<hbm>>)
    %add3A_97 = arith.constant 131072 : i32
    %add3A_98 = arith.addi %mul3A_32, %add3A_97 : i32
    %dma_start3A_99 = tpu.memref_slice %arg2[%add3A_98] : memref<16777216xf32, #tpu.memory_space<hbm>> -> memref<32768xf32, #tpu.memory_space<hbm>>
    %dma_start3A_100 = tpu.memref_slice %arg2[%add3A_98] : memref<16777216xf32, #tpu.memory_space<hbm>> -> memref<32768xf32, #tpu.memory_space<hbm>>
    tpu.enqueue_dma source(%dma_start3A_100 : memref<32768xf32, #tpu.memory_space<hbm>>) target(%arg5 : memref<32768xf32, #tpu.memory_space<vmem>>) target_semaphore(%arg9 : memref<!tpu.dma_semaphore, #tpu.memory_space<semaphore_mem>>)
    %dma_wait3A_101 = tpu.memref_slice %arg2[%add3A_53] : memref<16777216xf32, #tpu.memory_space<hbm>> -> memref<32768xf32, #tpu.memory_space<hbm>>
    %dma_wait3A_102 = tpu.memref_slice %arg2[%add3A_53] : memref<16777216xf32, #tpu.memory_space<hbm>> -> memref<32768xf32, #tpu.memory_space<hbm>>
    tpu.wait_dma2 semaphore(%arg10 : memref<!tpu.dma_semaphore, #tpu.memory_space<semaphore_mem>>) src(%dma_wait3A_102 : memref<32768xf32, #tpu.memory_space<hbm>>) dst(%arg6 : memref<32768xf32, #tpu.memory_space<vmem>>)
    %add3A_103 = arith.constant 65536 : i32
    %add3A_104 = arith.addi %add3A_37, %add3A_103 : i32
    %dma_start3A_105 = tpu.memref_slice %arg3[%add3A_104] : memref<33554432xf32, #tpu.memory_space<hbm>> -> memref<32768xf32, #tpu.memory_space<hbm>>
    %dma_start3A_106 = tpu.memref_slice %arg3[%add3A_104] : memref<33554432xf32, #tpu.memory_space<hbm>> -> memref<32768xf32, #tpu.memory_space<hbm>>
    tpu.enqueue_dma source(%arg6 : memref<32768xf32, #tpu.memory_space<vmem>>) target(%dma_start3A_106 : memref<32768xf32, #tpu.memory_space<hbm>>) target_semaphore(%arg13 : memref<!tpu.dma_semaphore, #tpu.memory_space<semaphore_mem>>)
    %add3A_107 = arith.constant 65536 : i32
    %add3A_108 = arith.addi %add3A_44, %add3A_107 : i32
    %dma_start3A_109 = tpu.memref_slice %arg3[%add3A_108] : memref<33554432xf32, #tpu.memory_space<hbm>> -> memref<16384xf32, #tpu.memory_space<hbm>>
    %dma_start3A_110 = tpu.memref_slice %arg3[%add3A_108] : memref<33554432xf32, #tpu.memory_space<hbm>> -> memref<16384xf32, #tpu.memory_space<hbm>>
    tpu.enqueue_dma source(%arg7 : memref<16384xf32, #tpu.memory_space<vmem>>) target(%dma_start3A_110 : memref<16384xf32, #tpu.memory_space<hbm>>) target_semaphore(%arg14 : memref<!tpu.dma_semaphore, #tpu.memory_space<semaphore_mem>>)
    %add3A_111 = arith.constant 81920 : i32
    %add3A_112 = arith.addi %add3A_44, %add3A_111 : i32
    %dma_start3A_113 = tpu.memref_slice %arg3[%add3A_112] : memref<33554432xf32, #tpu.memory_space<hbm>> -> memref<16384xf32, #tpu.memory_space<hbm>>
    %dma_start3A_114 = tpu.memref_slice %arg3[%add3A_112] : memref<33554432xf32, #tpu.memory_space<hbm>> -> memref<16384xf32, #tpu.memory_space<hbm>>
    tpu.enqueue_dma source(%arg7 : memref<16384xf32, #tpu.memory_space<vmem>>) target(%dma_start3A_114 : memref<16384xf32, #tpu.memory_space<hbm>>) target_semaphore(%arg14 : memref<!tpu.dma_semaphore, #tpu.memory_space<semaphore_mem>>)
    %dma_wait3A_115 = tpu.memref_slice %arg3[%add3A_104] : memref<33554432xf32, #tpu.memory_space<hbm>> -> memref<32768xf32, #tpu.memory_space<hbm>>
    %dma_wait3A_116 = tpu.memref_slice %arg3[%add3A_104] : memref<33554432xf32, #tpu.memory_space<hbm>> -> memref<32768xf32, #tpu.memory_space<hbm>>
    tpu.wait_dma2 semaphore(%arg13 : memref<!tpu.dma_semaphore, #tpu.memory_space<semaphore_mem>>) src(%arg6 : memref<32768xf32, #tpu.memory_space<vmem>>) dst(%dma_wait3A_116 : memref<32768xf32, #tpu.memory_space<hbm>>)
    %add3A_117 = arith.constant 163840 : i32
    %add3A_118 = arith.addi %mul3A_32, %add3A_117 : i32
    %dma_start3A_119 = tpu.memref_slice %arg2[%add3A_118] : memref<16777216xf32, #tpu.memory_space<hbm>> -> memref<32768xf32, #tpu.memory_space<hbm>>
    %dma_start3A_120 = tpu.memref_slice %arg2[%add3A_118] : memref<16777216xf32, #tpu.memory_space<hbm>> -> memref<32768xf32, #tpu.memory_space<hbm>>
    tpu.enqueue_dma source(%dma_start3A_120 : memref<32768xf32, #tpu.memory_space<hbm>>) target(%arg6 : memref<32768xf32, #tpu.memory_space<vmem>>) target_semaphore(%arg10 : memref<!tpu.dma_semaphore, #tpu.memory_space<semaphore_mem>>)
    %dma_wait3A_121 = tpu.memref_slice %arg2[%add3A_78] : memref<16777216xf32, #tpu.memory_space<hbm>> -> memref<32768xf32, #tpu.memory_space<hbm>>
    %dma_wait3A_122 = tpu.memref_slice %arg2[%add3A_78] : memref<16777216xf32, #tpu.memory_space<hbm>> -> memref<32768xf32, #tpu.memory_space<hbm>>
    tpu.wait_dma2 semaphore(%arg8 : memref<!tpu.dma_semaphore, #tpu.memory_space<semaphore_mem>>) src(%dma_wait3A_122 : memref<32768xf32, #tpu.memory_space<hbm>>) dst(%arg4 : memref<32768xf32, #tpu.memory_space<vmem>>)
    %add3A_123 = arith.constant 98304 : i32
    %add3A_124 = arith.addi %add3A_37, %add3A_123 : i32
    %dma_start3A_125 = tpu.memref_slice %arg3[%add3A_124] : memref<33554432xf32, #tpu.memory_space<hbm>> -> memref<32768xf32, #tpu.memory_space<hbm>>
    %dma_start3A_126 = tpu.memref_slice %arg3[%add3A_124] : memref<33554432xf32, #tpu.memory_space<hbm>> -> memref<32768xf32, #tpu.memory_space<hbm>>
    tpu.enqueue_dma source(%arg4 : memref<32768xf32, #tpu.memory_space<vmem>>) target(%dma_start3A_126 : memref<32768xf32, #tpu.memory_space<hbm>>) target_semaphore(%arg11 : memref<!tpu.dma_semaphore, #tpu.memory_space<semaphore_mem>>)
    %add3A_127 = arith.constant 98304 : i32
    %add3A_128 = arith.addi %add3A_44, %add3A_127 : i32
    %dma_start3A_129 = tpu.memref_slice %arg3[%add3A_128] : memref<33554432xf32, #tpu.memory_space<hbm>> -> memref<16384xf32, #tpu.memory_space<hbm>>
    %dma_start3A_130 = tpu.memref_slice %arg3[%add3A_128] : memref<33554432xf32, #tpu.memory_space<hbm>> -> memref<16384xf32, #tpu.memory_space<hbm>>
    tpu.enqueue_dma source(%arg7 : memref<16384xf32, #tpu.memory_space<vmem>>) target(%dma_start3A_130 : memref<16384xf32, #tpu.memory_space<hbm>>) target_semaphore(%arg14 : memref<!tpu.dma_semaphore, #tpu.memory_space<semaphore_mem>>)
    %add3A_131 = arith.constant 114688 : i32
    %add3A_132 = arith.addi %add3A_44, %add3A_131 : i32
    %dma_start3A_133 = tpu.memref_slice %arg3[%add3A_132] : memref<33554432xf32, #tpu.memory_space<hbm>> -> memref<16384xf32, #tpu.memory_space<hbm>>
    %dma_start3A_134 = tpu.memref_slice %arg3[%add3A_132] : memref<33554432xf32, #tpu.memory_space<hbm>> -> memref<16384xf32, #tpu.memory_space<hbm>>
    tpu.enqueue_dma source(%arg7 : memref<16384xf32, #tpu.memory_space<vmem>>) target(%dma_start3A_134 : memref<16384xf32, #tpu.memory_space<hbm>>) target_semaphore(%arg14 : memref<!tpu.dma_semaphore, #tpu.memory_space<semaphore_mem>>)
    %dma_wait3A_135 = tpu.memref_slice %arg3[%add3A_124] : memref<33554432xf32, #tpu.memory_space<hbm>> -> memref<32768xf32, #tpu.memory_space<hbm>>
    %dma_wait3A_136 = tpu.memref_slice %arg3[%add3A_124] : memref<33554432xf32, #tpu.memory_space<hbm>> -> memref<32768xf32, #tpu.memory_space<hbm>>
    tpu.wait_dma2 semaphore(%arg11 : memref<!tpu.dma_semaphore, #tpu.memory_space<semaphore_mem>>) src(%arg4 : memref<32768xf32, #tpu.memory_space<vmem>>) dst(%dma_wait3A_136 : memref<32768xf32, #tpu.memory_space<hbm>>)
    %add3A_137 = arith.constant 196608 : i32
    %add3A_138 = arith.addi %mul3A_32, %add3A_137 : i32
    %dma_start3A_139 = tpu.memref_slice %arg2[%add3A_138] : memref<16777216xf32, #tpu.memory_space<hbm>> -> memref<32768xf32, #tpu.memory_space<hbm>>
    %dma_start3A_140 = tpu.memref_slice %arg2[%add3A_138] : memref<16777216xf32, #tpu.memory_space<hbm>> -> memref<32768xf32, #tpu.memory_space<hbm>>
    tpu.enqueue_dma source(%dma_start3A_140 : memref<32768xf32, #tpu.memory_space<hbm>>) target(%arg4 : memref<32768xf32, #tpu.memory_space<vmem>>) target_semaphore(%arg8 : memref<!tpu.dma_semaphore, #tpu.memory_space<semaphore_mem>>)
    %dma_wait3A_141 = tpu.memref_slice %arg2[%add3A_98] : memref<16777216xf32, #tpu.memory_space<hbm>> -> memref<32768xf32, #tpu.memory_space<hbm>>
    %dma_wait3A_142 = tpu.memref_slice %arg2[%add3A_98] : memref<16777216xf32, #tpu.memory_space<hbm>> -> memref<32768xf32, #tpu.memory_space<hbm>>
    tpu.wait_dma2 semaphore(%arg9 : memref<!tpu.dma_semaphore, #tpu.memory_space<semaphore_mem>>) src(%dma_wait3A_142 : memref<32768xf32, #tpu.memory_space<hbm>>) dst(%arg5 : memref<32768xf32, #tpu.memory_space<vmem>>)
    %add3A_143 = arith.constant 131072 : i32
    %add3A_144 = arith.addi %add3A_37, %add3A_143 : i32
    %dma_start3A_145 = tpu.memref_slice %arg3[%add3A_144] : memref<33554432xf32, #tpu.memory_space<hbm>> -> memref<32768xf32, #tpu.memory_space<hbm>>
    %dma_start3A_146 = tpu.memref_slice %arg3[%add3A_144] : memref<33554432xf32, #tpu.memory_space<hbm>> -> memref<32768xf32, #tpu.memory_space<hbm>>
    tpu.enqueue_dma source(%arg5 : memref<32768xf32, #tpu.memory_space<vmem>>) target(%dma_start3A_146 : memref<32768xf32, #tpu.memory_space<hbm>>) target_semaphore(%arg12 : memref<!tpu.dma_semaphore, #tpu.memory_space<semaphore_mem>>)
    %add3A_147 = arith.constant 131072 : i32
    %add3A_148 = arith.addi %add3A_44, %add3A_147 : i32
    %dma_start3A_149 = tpu.memref_slice %arg3[%add3A_148] : memref<33554432xf32, #tpu.memory_space<hbm>> -> memref<16384xf32, #tpu.memory_space<hbm>>
    %dma_start3A_150 = tpu.memref_slice %arg3[%add3A_148] : memref<33554432xf32, #tpu.memory_space<hbm>> -> memref<16384xf32, #tpu.memory_space<hbm>>
    tpu.enqueue_dma source(%arg7 : memref<16384xf32, #tpu.memory_space<vmem>>) target(%dma_start3A_150 : memref<16384xf32, #tpu.memory_space<hbm>>) target_semaphore(%arg14 : memref<!tpu.dma_semaphore, #tpu.memory_space<semaphore_mem>>)
    %add3A_151 = arith.constant 147456 : i32
    %add3A_152 = arith.addi %add3A_44, %add3A_151 : i32
    %dma_start3A_153 = tpu.memref_slice %arg3[%add3A_152] : memref<33554432xf32, #tpu.memory_space<hbm>> -> memref<16384xf32, #tpu.memory_space<hbm>>
    %dma_start3A_154 = tpu.memref_slice %arg3[%add3A_152] : memref<33554432xf32, #tpu.memory_space<hbm>> -> memref<16384xf32, #tpu.memory_space<hbm>>
    tpu.enqueue_dma source(%arg7 : memref<16384xf32, #tpu.memory_space<vmem>>) target(%dma_start3A_154 : memref<16384xf32, #tpu.memory_space<hbm>>) target_semaphore(%arg14 : memref<!tpu.dma_semaphore, #tpu.memory_space<semaphore_mem>>)
    %dma_wait3A_155 = tpu.memref_slice %arg3[%add3A_144] : memref<33554432xf32, #tpu.memory_space<hbm>> -> memref<32768xf32, #tpu.memory_space<hbm>>
    %dma_wait3A_156 = tpu.memref_slice %arg3[%add3A_144] : memref<33554432xf32, #tpu.memory_space<hbm>> -> memref<32768xf32, #tpu.memory_space<hbm>>
    tpu.wait_dma2 semaphore(%arg12 : memref<!tpu.dma_semaphore, #tpu.memory_space<semaphore_mem>>) src(%arg5 : memref<32768xf32, #tpu.memory_space<vmem>>) dst(%dma_wait3A_156 : memref<32768xf32, #tpu.memory_space<hbm>>)
    %add3A_157 = arith.constant 229376 : i32
    %add3A_158 = arith.addi %mul3A_32, %add3A_157 : i32
    %dma_start3A_159 = tpu.memref_slice %arg2[%add3A_158] : memref<16777216xf32, #tpu.memory_space<hbm>> -> memref<32768xf32, #tpu.memory_space<hbm>>
    %dma_start3A_160 = tpu.memref_slice %arg2[%add3A_158] : memref<16777216xf32, #tpu.memory_space<hbm>> -> memref<32768xf32, #tpu.memory_space<hbm>>
    tpu.enqueue_dma source(%dma_start3A_160 : memref<32768xf32, #tpu.memory_space<hbm>>) target(%arg5 : memref<32768xf32, #tpu.memory_space<vmem>>) target_semaphore(%arg9 : memref<!tpu.dma_semaphore, #tpu.memory_space<semaphore_mem>>)
    %dma_wait3A_161 = tpu.memref_slice %arg2[%add3A_118] : memref<16777216xf32, #tpu.memory_space<hbm>> -> memref<32768xf32, #tpu.memory_space<hbm>>
    %dma_wait3A_162 = tpu.memref_slice %arg2[%add3A_118] : memref<16777216xf32, #tpu.memory_space<hbm>> -> memref<32768xf32, #tpu.memory_space<hbm>>
    tpu.wait_dma2 semaphore(%arg10 : memref<!tpu.dma_semaphore, #tpu.memory_space<semaphore_mem>>) src(%dma_wait3A_162 : memref<32768xf32, #tpu.memory_space<hbm>>) dst(%arg6 : memref<32768xf32, #tpu.memory_space<vmem>>)
    %add3A_163 = arith.constant 163840 : i32
    %add3A_164 = arith.addi %add3A_37, %add3A_163 : i32
    %dma_start3A_165 = tpu.memref_slice %arg3[%add3A_164] : memref<33554432xf32, #tpu.memory_space<hbm>> -> memref<32768xf32, #tpu.memory_space<hbm>>
    %dma_start3A_166 = tpu.memref_slice %arg3[%add3A_164] : memref<33554432xf32, #tpu.memory_space<hbm>> -> memref<32768xf32, #tpu.memory_space<hbm>>
    tpu.enqueue_dma source(%arg6 : memref<32768xf32, #tpu.memory_space<vmem>>) target(%dma_start3A_166 : memref<32768xf32, #tpu.memory_space<hbm>>) target_semaphore(%arg13 : memref<!tpu.dma_semaphore, #tpu.memory_space<semaphore_mem>>)
    %add3A_167 = arith.constant 163840 : i32
    %add3A_168 = arith.addi %add3A_44, %add3A_167 : i32
    %dma_start3A_169 = tpu.memref_slice %arg3[%add3A_168] : memref<33554432xf32, #tpu.memory_space<hbm>> -> memref<16384xf32, #tpu.memory_space<hbm>>
    %dma_start3A_170 = tpu.memref_slice %arg3[%add3A_168] : memref<33554432xf32, #tpu.memory_space<hbm>> -> memref<16384xf32, #tpu.memory_space<hbm>>
    tpu.enqueue_dma source(%arg7 : memref<16384xf32, #tpu.memory_space<vmem>>) target(%dma_start3A_170 : memref<16384xf32, #tpu.memory_space<hbm>>) target_semaphore(%arg14 : memref<!tpu.dma_semaphore, #tpu.memory_space<semaphore_mem>>)
    %add3A_171 = arith.constant 180224 : i32
    %add3A_172 = arith.addi %add3A_44, %add3A_171 : i32
    %dma_start3A_173 = tpu.memref_slice %arg3[%add3A_172] : memref<33554432xf32, #tpu.memory_space<hbm>> -> memref<16384xf32, #tpu.memory_space<hbm>>
    %dma_start3A_174 = tpu.memref_slice %arg3[%add3A_172] : memref<33554432xf32, #tpu.memory_space<hbm>> -> memref<16384xf32, #tpu.memory_space<hbm>>
    tpu.enqueue_dma source(%arg7 : memref<16384xf32, #tpu.memory_space<vmem>>) target(%dma_start3A_174 : memref<16384xf32, #tpu.memory_space<hbm>>) target_semaphore(%arg14 : memref<!tpu.dma_semaphore, #tpu.memory_space<semaphore_mem>>)
    %dma_wait3A_175 = tpu.memref_slice %arg3[%add3A_164] : memref<33554432xf32, #tpu.memory_space<hbm>> -> memref<32768xf32, #tpu.memory_space<hbm>>
    %dma_wait3A_176 = tpu.memref_slice %arg3[%add3A_164] : memref<33554432xf32, #tpu.memory_space<hbm>> -> memref<32768xf32, #tpu.memory_space<hbm>>
    tpu.wait_dma2 semaphore(%arg13 : memref<!tpu.dma_semaphore, #tpu.memory_space<semaphore_mem>>) src(%arg6 : memref<32768xf32, #tpu.memory_space<vmem>>) dst(%dma_wait3A_176 : memref<32768xf32, #tpu.memory_space<hbm>>)
    %add3A_177 = arith.constant 262144 : i32
    %add3A_178 = arith.addi %mul3A_32, %add3A_177 : i32
    %dma_start3A_179 = tpu.memref_slice %arg2[%add3A_178] : memref<16777216xf32, #tpu.memory_space<hbm>> -> memref<32768xf32, #tpu.memory_space<hbm>>
    %dma_start3A_180 = tpu.memref_slice %arg2[%add3A_178] : memref<16777216xf32, #tpu.memory_space<hbm>> -> memref<32768xf32, #tpu.memory_space<hbm>>
    tpu.enqueue_dma source(%dma_start3A_180 : memref<32768xf32, #tpu.memory_space<hbm>>) target(%arg6 : memref<32768xf32, #tpu.memory_space<vmem>>) target_semaphore(%arg10 : memref<!tpu.dma_semaphore, #tpu.memory_space<semaphore_mem>>)
    %dma_wait3A_181 = tpu.memref_slice %arg2[%add3A_138] : memref<16777216xf32, #tpu.memory_space<hbm>> -> memref<32768xf32, #tpu.memory_space<hbm>>
    %dma_wait3A_182 = tpu.memref_slice %arg2[%add3A_138] : memref<16777216xf32, #tpu.memory_space<hbm>> -> memref<32768xf32, #tpu.memory_space<hbm>>
    tpu.wait_dma2 semaphore(%arg8 : memref<!tpu.dma_semaphore, #tpu.memory_space<semaphore_mem>>) src(%dma_wait3A_182 : memref<32768xf32, #tpu.memory_space<hbm>>) dst(%arg4 : memref<32768xf32, #tpu.memory_space<vmem>>)
    %add3A_183 = arith.constant 196608 : i32
    %add3A_184 = arith.addi %add3A_37, %add3A_183 : i32
    %dma_start3A_185 = tpu.memref_slice %arg3[%add3A_184] : memref<33554432xf32, #tpu.memory_space<hbm>> -> memref<32768xf32, #tpu.memory_space<hbm>>
    %dma_start3A_186 = tpu.memref_slice %arg3[%add3A_184] : memref<33554432xf32, #tpu.memory_space<hbm>> -> memref<32768xf32, #tpu.memory_space<hbm>>
    tpu.enqueue_dma source(%arg4 : memref<32768xf32, #tpu.memory_space<vmem>>) target(%dma_start3A_186 : memref<32768xf32, #tpu.memory_space<hbm>>) target_semaphore(%arg11 : memref<!tpu.dma_semaphore, #tpu.memory_space<semaphore_mem>>)
    %add3A_187 = arith.constant 196608 : i32
    %add3A_188 = arith.addi %add3A_44, %add3A_187 : i32
    %dma_start3A_189 = tpu.memref_slice %arg3[%add3A_188] : memref<33554432xf32, #tpu.memory_space<hbm>> -> memref<16384xf32, #tpu.memory_space<hbm>>
    %dma_start3A_190 = tpu.memref_slice %arg3[%add3A_188] : memref<33554432xf32, #tpu.memory_space<hbm>> -> memref<16384xf32, #tpu.memory_space<hbm>>
    tpu.enqueue_dma source(%arg7 : memref<16384xf32, #tpu.memory_space<vmem>>) target(%dma_start3A_190 : memref<16384xf32, #tpu.memory_space<hbm>>) target_semaphore(%arg14 : memref<!tpu.dma_semaphore, #tpu.memory_space<semaphore_mem>>)
    %add3A_191 = arith.constant 212992 : i32
    %add3A_192 = arith.addi %add3A_44, %add3A_191 : i32
    %dma_start3A_193 = tpu.memref_slice %arg3[%add3A_192] : memref<33554432xf32, #tpu.memory_space<hbm>> -> memref<16384xf32, #tpu.memory_space<hbm>>
    %dma_start3A_194 = tpu.memref_slice %arg3[%add3A_192] : memref<33554432xf32, #tpu.memory_space<hbm>> -> memref<16384xf32, #tpu.memory_space<hbm>>
    tpu.enqueue_dma source(%arg7 : memref<16384xf32, #tpu.memory_space<vmem>>) target(%dma_start3A_194 : memref<16384xf32, #tpu.memory_space<hbm>>) target_semaphore(%arg14 : memref<!tpu.dma_semaphore, #tpu.memory_space<semaphore_mem>>)
    %dma_wait3A_195 = tpu.memref_slice %arg3[%add3A_184] : memref<33554432xf32, #tpu.memory_space<hbm>> -> memref<32768xf32, #tpu.memory_space<hbm>>
    %dma_wait3A_196 = tpu.memref_slice %arg3[%add3A_184] : memref<33554432xf32, #tpu.memory_space<hbm>> -> memref<32768xf32, #tpu.memory_space<hbm>>
    tpu.wait_dma2 semaphore(%arg11 : memref<!tpu.dma_semaphore, #tpu.memory_space<semaphore_mem>>) src(%arg4 : memref<32768xf32, #tpu.memory_space<vmem>>) dst(%dma_wait3A_196 : memref<32768xf32, #tpu.memory_space<hbm>>)
    %add3A_197 = arith.constant 294912 : i32
    %add3A_198 = arith.addi %mul3A_32, %add3A_197 : i32
    %dma_start3A_199 = tpu.memref_slice %arg2[%add3A_198] : memref<16777216xf32, #tpu.memory_space<hbm>> -> memref<32768xf32, #tpu.memory_space<hbm>>
    %dma_start3A_200 = tpu.memref_slice %arg2[%add3A_198] : memref<16777216xf32, #tpu.memory_space<hbm>> -> memref<32768xf32, #tpu.memory_space<hbm>>
    tpu.enqueue_dma source(%dma_start3A_200 : memref<32768xf32, #tpu.memory_space<hbm>>) target(%arg4 : memref<32768xf32, #tpu.memory_space<vmem>>) target_semaphore(%arg8 : memref<!tpu.dma_semaphore, #tpu.memory_space<semaphore_mem>>)
    %dma_wait3A_201 = tpu.memref_slice %arg2[%add3A_158] : memref<16777216xf32, #tpu.memory_space<hbm>> -> memref<32768xf32, #tpu.memory_space<hbm>>
    %dma_wait3A_202 = tpu.memref_slice %arg2[%add3A_158] : memref<16777216xf32, #tpu.memory_space<hbm>> -> memref<32768xf32, #tpu.memory_space<hbm>>
    tpu.wait_dma2 semaphore(%arg9 : memref<!tpu.dma_semaphore, #tpu.memory_space<semaphore_mem>>) src(%dma_wait3A_202 : memref<32768xf32, #tpu.memory_space<hbm>>) dst(%arg5 : memref<32768xf32, #tpu.memory_space<vmem>>)
    %add3A_203 = arith.constant 229376 : i32
    %add3A_204 = arith.addi %add3A_37, %add3A_203 : i32
    %dma_start3A_205 = tpu.memref_slice %arg3[%add3A_204] : memref<33554432xf32, #tpu.memory_space<hbm>> -> memref<32768xf32, #tpu.memory_space<hbm>>
    %dma_start3A_206 = tpu.memref_slice %arg3[%add3A_204] : memref<33554432xf32, #tpu.memory_space<hbm>> -> memref<32768xf32, #tpu.memory_space<hbm>>
    tpu.enqueue_dma source(%arg5 : memref<32768xf32, #tpu.memory_space<vmem>>) target(%dma_start3A_206 : memref<32768xf32, #tpu.memory_space<hbm>>) target_semaphore(%arg12 : memref<!tpu.dma_semaphore, #tpu.memory_space<semaphore_mem>>)
    %add3A_207 = arith.constant 229376 : i32
    %add3A_208 = arith.addi %add3A_44, %add3A_207 : i32
    %dma_start3A_209 = tpu.memref_slice %arg3[%add3A_208] : memref<33554432xf32, #tpu.memory_space<hbm>> -> memref<16384xf32, #tpu.memory_space<hbm>>
    %dma_start3A_210 = tpu.memref_slice %arg3[%add3A_208] : memref<33554432xf32, #tpu.memory_space<hbm>> -> memref<16384xf32, #tpu.memory_space<hbm>>
    tpu.enqueue_dma source(%arg7 : memref<16384xf32, #tpu.memory_space<vmem>>) target(%dma_start3A_210 : memref<16384xf32, #tpu.memory_space<hbm>>) target_semaphore(%arg14 : memref<!tpu.dma_semaphore, #tpu.memory_space<semaphore_mem>>)
    %add3A_211 = arith.constant 245760 : i32
    %add3A_212 = arith.addi %add3A_44, %add3A_211 : i32
    %dma_start3A_213 = tpu.memref_slice %arg3[%add3A_212] : memref<33554432xf32, #tpu.memory_space<hbm>> -> memref<16384xf32, #tpu.memory_space<hbm>>
    %dma_start3A_214 = tpu.memref_slice %arg3[%add3A_212] : memref<33554432xf32, #tpu.memory_space<hbm>> -> memref<16384xf32, #tpu.memory_space<hbm>>
    tpu.enqueue_dma source(%arg7 : memref<16384xf32, #tpu.memory_space<vmem>>) target(%dma_start3A_214 : memref<16384xf32, #tpu.memory_space<hbm>>) target_semaphore(%arg14 : memref<!tpu.dma_semaphore, #tpu.memory_space<semaphore_mem>>)
    %dma_wait3A_215 = tpu.memref_slice %arg3[%add3A_204] : memref<33554432xf32, #tpu.memory_space<hbm>> -> memref<32768xf32, #tpu.memory_space<hbm>>
    %dma_wait3A_216 = tpu.memref_slice %arg3[%add3A_204] : memref<33554432xf32, #tpu.memory_space<hbm>> -> memref<32768xf32, #tpu.memory_space<hbm>>
    tpu.wait_dma2 semaphore(%arg12 : memref<!tpu.dma_semaphore, #tpu.memory_space<semaphore_mem>>) src(%arg5 : memref<32768xf32, #tpu.memory_space<vmem>>) dst(%dma_wait3A_216 : memref<32768xf32, #tpu.memory_space<hbm>>)
    %add3A_217 = arith.constant 327680 : i32
    %add3A_218 = arith.addi %mul3A_32, %add3A_217 : i32
    %dma_start3A_219 = tpu.memref_slice %arg2[%add3A_218] : memref<16777216xf32, #tpu.memory_space<hbm>> -> memref<32768xf32, #tpu.memory_space<hbm>>
    %dma_start3A_220 = tpu.memref_slice %arg2[%add3A_218] : memref<16777216xf32, #tpu.memory_space<hbm>> -> memref<32768xf32, #tpu.memory_space<hbm>>
    tpu.enqueue_dma source(%dma_start3A_220 : memref<32768xf32, #tpu.memory_space<hbm>>) target(%arg5 : memref<32768xf32, #tpu.memory_space<vmem>>) target_semaphore(%arg9 : memref<!tpu.dma_semaphore, #tpu.memory_space<semaphore_mem>>)
    %dma_wait3A_221 = tpu.memref_slice %arg2[%add3A_178] : memref<16777216xf32, #tpu.memory_space<hbm>> -> memref<32768xf32, #tpu.memory_space<hbm>>
    %dma_wait3A_222 = tpu.memref_slice %arg2[%add3A_178] : memref<16777216xf32, #tpu.memory_space<hbm>> -> memref<32768xf32, #tpu.memory_space<hbm>>
    tpu.wait_dma2 semaphore(%arg10 : memref<!tpu.dma_semaphore, #tpu.memory_space<semaphore_mem>>) src(%dma_wait3A_222 : memref<32768xf32, #tpu.memory_space<hbm>>) dst(%arg6 : memref<32768xf32, #tpu.memory_space<vmem>>)
    %add3A_223 = arith.constant 262144 : i32
    %add3A_224 = arith.addi %add3A_37, %add3A_223 : i32
    %dma_start3A_225 = tpu.memref_slice %arg3[%add3A_224] : memref<33554432xf32, #tpu.memory_space<hbm>> -> memref<32768xf32, #tpu.memory_space<hbm>>
    %dma_start3A_226 = tpu.memref_slice %arg3[%add3A_224] : memref<33554432xf32, #tpu.memory_space<hbm>> -> memref<32768xf32, #tpu.memory_space<hbm>>
    tpu.enqueue_dma source(%arg6 : memref<32768xf32, #tpu.memory_space<vmem>>) target(%dma_start3A_226 : memref<32768xf32, #tpu.memory_space<hbm>>) target_semaphore(%arg13 : memref<!tpu.dma_semaphore, #tpu.memory_space<semaphore_mem>>)
    %add3A_227 = arith.constant 262144 : i32
    %add3A_228 = arith.addi %add3A_44, %add3A_227 : i32
    %dma_start3A_229 = tpu.memref_slice %arg3[%add3A_228] : memref<33554432xf32, #tpu.memory_space<hbm>> -> memref<16384xf32, #tpu.memory_space<hbm>>
    %dma_start3A_230 = tpu.memref_slice %arg3[%add3A_228] : memref<33554432xf32, #tpu.memory_space<hbm>> -> memref<16384xf32, #tpu.memory_space<hbm>>
    tpu.enqueue_dma source(%arg7 : memref<16384xf32, #tpu.memory_space<vmem>>) target(%dma_start3A_230 : memref<16384xf32, #tpu.memory_space<hbm>>) target_semaphore(%arg14 : memref<!tpu.dma_semaphore, #tpu.memory_space<semaphore_mem>>)
    %add3A_231 = arith.constant 278528 : i32
    %add3A_232 = arith.addi %add3A_44, %add3A_231 : i32
    %dma_start3A_233 = tpu.memref_slice %arg3[%add3A_232] : memref<33554432xf32, #tpu.memory_space<hbm>> -> memref<16384xf32, #tpu.memory_space<hbm>>
    %dma_start3A_234 = tpu.memref_slice %arg3[%add3A_232] : memref<33554432xf32, #tpu.memory_space<hbm>> -> memref<16384xf32, #tpu.memory_space<hbm>>
    tpu.enqueue_dma source(%arg7 : memref<16384xf32, #tpu.memory_space<vmem>>) target(%dma_start3A_234 : memref<16384xf32, #tpu.memory_space<hbm>>) target_semaphore(%arg14 : memref<!tpu.dma_semaphore, #tpu.memory_space<semaphore_mem>>)
    %dma_wait3A_235 = tpu.memref_slice %arg3[%add3A_224] : memref<33554432xf32, #tpu.memory_space<hbm>> -> memref<32768xf32, #tpu.memory_space<hbm>>
    %dma_wait3A_236 = tpu.memref_slice %arg3[%add3A_224] : memref<33554432xf32, #tpu.memory_space<hbm>> -> memref<32768xf32, #tpu.memory_space<hbm>>
    tpu.wait_dma2 semaphore(%arg13 : memref<!tpu.dma_semaphore, #tpu.memory_space<semaphore_mem>>) src(%arg6 : memref<32768xf32, #tpu.memory_space<vmem>>) dst(%dma_wait3A_236 : memref<32768xf32, #tpu.memory_space<hbm>>)
    %add3A_237 = arith.constant 360448 : i32
    %add3A_238 = arith.addi %mul3A_32, %add3A_237 : i32
    %dma_start3A_239 = tpu.memref_slice %arg2[%add3A_238] : memref<16777216xf32, #tpu.memory_space<hbm>> -> memref<32768xf32, #tpu.memory_space<hbm>>
    %dma_start3A_240 = tpu.memref_slice %arg2[%add3A_238] : memref<16777216xf32, #tpu.memory_space<hbm>> -> memref<32768xf32, #tpu.memory_space<hbm>>
    tpu.enqueue_dma source(%dma_start3A_240 : memref<32768xf32, #tpu.memory_space<hbm>>) target(%arg6 : memref<32768xf32, #tpu.memory_space<vmem>>) target_semaphore(%arg10 : memref<!tpu.dma_semaphore, #tpu.memory_space<semaphore_mem>>)
    %dma_wait3A_241 = tpu.memref_slice %arg2[%add3A_198] : memref<16777216xf32, #tpu.memory_space<hbm>> -> memref<32768xf32, #tpu.memory_space<hbm>>
    %dma_wait3A_242 = tpu.memref_slice %arg2[%add3A_198] : memref<16777216xf32, #tpu.memory_space<hbm>> -> memref<32768xf32, #tpu.memory_space<hbm>>
    tpu.wait_dma2 semaphore(%arg8 : memref<!tpu.dma_semaphore, #tpu.memory_space<semaphore_mem>>) src(%dma_wait3A_242 : memref<32768xf32, #tpu.memory_space<hbm>>) dst(%arg4 : memref<32768xf32, #tpu.memory_space<vmem>>)
    %add3A_243 = arith.constant 294912 : i32
    %add3A_244 = arith.addi %add3A_37, %add3A_243 : i32
    %dma_start3A_245 = tpu.memref_slice %arg3[%add3A_244] : memref<33554432xf32, #tpu.memory_space<hbm>> -> memref<32768xf32, #tpu.memory_space<hbm>>
    %dma_start3A_246 = tpu.memref_slice %arg3[%add3A_244] : memref<33554432xf32, #tpu.memory_space<hbm>> -> memref<32768xf32, #tpu.memory_space<hbm>>
    tpu.enqueue_dma source(%arg4 : memref<32768xf32, #tpu.memory_space<vmem>>) target(%dma_start3A_246 : memref<32768xf32, #tpu.memory_space<hbm>>) target_semaphore(%arg11 : memref<!tpu.dma_semaphore, #tpu.memory_space<semaphore_mem>>)
    %add3A_247 = arith.constant 294912 : i32
    %add3A_248 = arith.addi %add3A_44, %add3A_247 : i32
    %dma_start3A_249 = tpu.memref_slice %arg3[%add3A_248] : memref<33554432xf32, #tpu.memory_space<hbm>> -> memref<16384xf32, #tpu.memory_space<hbm>>
    %dma_start3A_250 = tpu.memref_slice %arg3[%add3A_248] : memref<33554432xf32, #tpu.memory_space<hbm>> -> memref<16384xf32, #tpu.memory_space<hbm>>
    tpu.enqueue_dma source(%arg7 : memref<16384xf32, #tpu.memory_space<vmem>>) target(%dma_start3A_250 : memref<16384xf32, #tpu.memory_space<hbm>>) target_semaphore(%arg14 : memref<!tpu.dma_semaphore, #tpu.memory_space<semaphore_mem>>)
    %add3A_251 = arith.constant 311296 : i32
    %add3A_252 = arith.addi %add3A_44, %add3A_251 : i32
    %dma_start3A_253 = tpu.memref_slice %arg3[%add3A_252] : memref<33554432xf32, #tpu.memory_space<hbm>> -> memref<16384xf32, #tpu.memory_space<hbm>>
    %dma_start3A_254 = tpu.memref_slice %arg3[%add3A_252] : memref<33554432xf32, #tpu.memory_space<hbm>> -> memref<16384xf32, #tpu.memory_space<hbm>>
    tpu.enqueue_dma source(%arg7 : memref<16384xf32, #tpu.memory_space<vmem>>) target(%dma_start3A_254 : memref<16384xf32, #tpu.memory_space<hbm>>) target_semaphore(%arg14 : memref<!tpu.dma_semaphore, #tpu.memory_space<semaphore_mem>>)
    %dma_wait3A_255 = tpu.memref_slice %arg3[%add3A_244] : memref<33554432xf32, #tpu.memory_space<hbm>> -> memref<32768xf32, #tpu.memory_space<hbm>>
    %dma_wait3A_256 = tpu.memref_slice %arg3[%add3A_244] : memref<33554432xf32, #tpu.memory_space<hbm>> -> memref<32768xf32, #tpu.memory_space<hbm>>
    tpu.wait_dma2 semaphore(%arg11 : memref<!tpu.dma_semaphore, #tpu.memory_space<semaphore_mem>>) src(%arg4 : memref<32768xf32, #tpu.memory_space<vmem>>) dst(%dma_wait3A_256 : memref<32768xf32, #tpu.memory_space<hbm>>)
    %add3A_257 = arith.constant 393216 : i32
    %add3A_258 = arith.addi %mul3A_32, %add3A_257 : i32
    %dma_start3A_259 = tpu.memref_slice %arg2[%add3A_258] : memref<16777216xf32, #tpu.memory_space<hbm>> -> memref<32768xf32, #tpu.memory_space<hbm>>
    %dma_start3A_260 = tpu.memref_slice %arg2[%add3A_258] : memref<16777216xf32, #tpu.memory_space<hbm>> -> memref<32768xf32, #tpu.memory_space<hbm>>
    tpu.enqueue_dma source(%dma_start3A_260 : memref<32768xf32, #tpu.memory_space<hbm>>) target(%arg4 : memref<32768xf32, #tpu.memory_space<vmem>>) target_semaphore(%arg8 : memref<!tpu.dma_semaphore, #tpu.memory_space<semaphore_mem>>)
    %dma_wait3A_261 = tpu.memref_slice %arg2[%add3A_218] : memref<16777216xf32, #tpu.memory_space<hbm>> -> memref<32768xf32, #tpu.memory_space<hbm>>
    %dma_wait3A_262 = tpu.memref_slice %arg2[%add3A_218] : memref<16777216xf32, #tpu.memory_space<hbm>> -> memref<32768xf32, #tpu.memory_space<hbm>>
    tpu.wait_dma2 semaphore(%arg9 : memref<!tpu.dma_semaphore, #tpu.memory_space<semaphore_mem>>) src(%dma_wait3A_262 : memref<32768xf32, #tpu.memory_space<hbm>>) dst(%arg5 : memref<32768xf32, #tpu.memory_space<vmem>>)
    %add3A_263 = arith.constant 327680 : i32
    %add3A_264 = arith.addi %add3A_37, %add3A_263 : i32
    %dma_start3A_265 = tpu.memref_slice %arg3[%add3A_264] : memref<33554432xf32, #tpu.memory_space<hbm>> -> memref<32768xf32, #tpu.memory_space<hbm>>
    %dma_start3A_266 = tpu.memref_slice %arg3[%add3A_264] : memref<33554432xf32, #tpu.memory_space<hbm>> -> memref<32768xf32, #tpu.memory_space<hbm>>
    tpu.enqueue_dma source(%arg5 : memref<32768xf32, #tpu.memory_space<vmem>>) target(%dma_start3A_266 : memref<32768xf32, #tpu.memory_space<hbm>>) target_semaphore(%arg12 : memref<!tpu.dma_semaphore, #tpu.memory_space<semaphore_mem>>)
    %add3A_267 = arith.constant 327680 : i32
    %add3A_268 = arith.addi %add3A_44, %add3A_267 : i32
    %dma_start3A_269 = tpu.memref_slice %arg3[%add3A_268] : memref<33554432xf32, #tpu.memory_space<hbm>> -> memref<16384xf32, #tpu.memory_space<hbm>>
    %dma_start3A_270 = tpu.memref_slice %arg3[%add3A_268] : memref<33554432xf32, #tpu.memory_space<hbm>> -> memref<16384xf32, #tpu.memory_space<hbm>>
    tpu.enqueue_dma source(%arg7 : memref<16384xf32, #tpu.memory_space<vmem>>) target(%dma_start3A_270 : memref<16384xf32, #tpu.memory_space<hbm>>) target_semaphore(%arg14 : memref<!tpu.dma_semaphore, #tpu.memory_space<semaphore_mem>>)
    %add3A_271 = arith.constant 344064 : i32
    %add3A_272 = arith.addi %add3A_44, %add3A_271 : i32
    %dma_start3A_273 = tpu.memref_slice %arg3[%add3A_272] : memref<33554432xf32, #tpu.memory_space<hbm>> -> memref<16384xf32, #tpu.memory_space<hbm>>
    %dma_start3A_274 = tpu.memref_slice %arg3[%add3A_272] : memref<33554432xf32, #tpu.memory_space<hbm>> -> memref<16384xf32, #tpu.memory_space<hbm>>
    tpu.enqueue_dma source(%arg7 : memref<16384xf32, #tpu.memory_space<vmem>>) target(%dma_start3A_274 : memref<16384xf32, #tpu.memory_space<hbm>>) target_semaphore(%arg14 : memref<!tpu.dma_semaphore, #tpu.memory_space<semaphore_mem>>)
    %dma_wait3A_275 = tpu.memref_slice %arg3[%add3A_264] : memref<33554432xf32, #tpu.memory_space<hbm>> -> memref<32768xf32, #tpu.memory_space<hbm>>
    %dma_wait3A_276 = tpu.memref_slice %arg3[%add3A_264] : memref<33554432xf32, #tpu.memory_space<hbm>> -> memref<32768xf32, #tpu.memory_space<hbm>>
    tpu.wait_dma2 semaphore(%arg12 : memref<!tpu.dma_semaphore, #tpu.memory_space<semaphore_mem>>) src(%arg5 : memref<32768xf32, #tpu.memory_space<vmem>>) dst(%dma_wait3A_276 : memref<32768xf32, #tpu.memory_space<hbm>>)
    %add3A_277 = arith.constant 425984 : i32
    %add3A_278 = arith.addi %mul3A_32, %add3A_277 : i32
    %dma_start3A_279 = tpu.memref_slice %arg2[%add3A_278] : memref<16777216xf32, #tpu.memory_space<hbm>> -> memref<32768xf32, #tpu.memory_space<hbm>>
    %dma_start3A_280 = tpu.memref_slice %arg2[%add3A_278] : memref<16777216xf32, #tpu.memory_space<hbm>> -> memref<32768xf32, #tpu.memory_space<hbm>>
    tpu.enqueue_dma source(%dma_start3A_280 : memref<32768xf32, #tpu.memory_space<hbm>>) target(%arg5 : memref<32768xf32, #tpu.memory_space<vmem>>) target_semaphore(%arg9 : memref<!tpu.dma_semaphore, #tpu.memory_space<semaphore_mem>>)
    %dma_wait3A_281 = tpu.memref_slice %arg2[%add3A_238] : memref<16777216xf32, #tpu.memory_space<hbm>> -> memref<32768xf32, #tpu.memory_space<hbm>>
    %dma_wait3A_282 = tpu.memref_slice %arg2[%add3A_238] : memref<16777216xf32, #tpu.memory_space<hbm>> -> memref<32768xf32, #tpu.memory_space<hbm>>
    tpu.wait_dma2 semaphore(%arg10 : memref<!tpu.dma_semaphore, #tpu.memory_space<semaphore_mem>>) src(%dma_wait3A_282 : memref<32768xf32, #tpu.memory_space<hbm>>) dst(%arg6 : memref<32768xf32, #tpu.memory_space<vmem>>)
    %add3A_283 = arith.constant 360448 : i32
    %add3A_284 = arith.addi %add3A_37, %add3A_283 : i32
    %dma_start3A_285 = tpu.memref_slice %arg3[%add3A_284] : memref<33554432xf32, #tpu.memory_space<hbm>> -> memref<32768xf32, #tpu.memory_space<hbm>>
    %dma_start3A_286 = tpu.memref_slice %arg3[%add3A_284] : memref<33554432xf32, #tpu.memory_space<hbm>> -> memref<32768xf32, #tpu.memory_space<hbm>>
    tpu.enqueue_dma source(%arg6 : memref<32768xf32, #tpu.memory_space<vmem>>) target(%dma_start3A_286 : memref<32768xf32, #tpu.memory_space<hbm>>) target_semaphore(%arg13 : memref<!tpu.dma_semaphore, #tpu.memory_space<semaphore_mem>>)
    %add3A_287 = arith.constant 360448 : i32
    %add3A_288 = arith.addi %add3A_44, %add3A_287 : i32
    %dma_start3A_289 = tpu.memref_slice %arg3[%add3A_288] : memref<33554432xf32, #tpu.memory_space<hbm>> -> memref<16384xf32, #tpu.memory_space<hbm>>
    %dma_start3A_290 = tpu.memref_slice %arg3[%add3A_288] : memref<33554432xf32, #tpu.memory_space<hbm>> -> memref<16384xf32, #tpu.memory_space<hbm>>
    tpu.enqueue_dma source(%arg7 : memref<16384xf32, #tpu.memory_space<vmem>>) target(%dma_start3A_290 : memref<16384xf32, #tpu.memory_space<hbm>>) target_semaphore(%arg14 : memref<!tpu.dma_semaphore, #tpu.memory_space<semaphore_mem>>)
    %add3A_291 = arith.constant 376832 : i32
    %add3A_292 = arith.addi %add3A_44, %add3A_291 : i32
    %dma_start3A_293 = tpu.memref_slice %arg3[%add3A_292] : memref<33554432xf32, #tpu.memory_space<hbm>> -> memref<16384xf32, #tpu.memory_space<hbm>>
    %dma_start3A_294 = tpu.memref_slice %arg3[%add3A_292] : memref<33554432xf32, #tpu.memory_space<hbm>> -> memref<16384xf32, #tpu.memory_space<hbm>>
    tpu.enqueue_dma source(%arg7 : memref<16384xf32, #tpu.memory_space<vmem>>) target(%dma_start3A_294 : memref<16384xf32, #tpu.memory_space<hbm>>) target_semaphore(%arg14 : memref<!tpu.dma_semaphore, #tpu.memory_space<semaphore_mem>>)
    %dma_wait3A_295 = tpu.memref_slice %arg3[%add3A_284] : memref<33554432xf32, #tpu.memory_space<hbm>> -> memref<32768xf32, #tpu.memory_space<hbm>>
    %dma_wait3A_296 = tpu.memref_slice %arg3[%add3A_284] : memref<33554432xf32, #tpu.memory_space<hbm>> -> memref<32768xf32, #tpu.memory_space<hbm>>
    tpu.wait_dma2 semaphore(%arg13 : memref<!tpu.dma_semaphore, #tpu.memory_space<semaphore_mem>>) src(%arg6 : memref<32768xf32, #tpu.memory_space<vmem>>) dst(%dma_wait3A_296 : memref<32768xf32, #tpu.memory_space<hbm>>)
    %add3A_297 = arith.constant 458752 : i32
    %add3A_298 = arith.addi %mul3A_32, %add3A_297 : i32
    %dma_start3A_299 = tpu.memref_slice %arg2[%add3A_298] : memref<16777216xf32, #tpu.memory_space<hbm>> -> memref<32768xf32, #tpu.memory_space<hbm>>
    %dma_start3A_300 = tpu.memref_slice %arg2[%add3A_298] : memref<16777216xf32, #tpu.memory_space<hbm>> -> memref<32768xf32, #tpu.memory_space<hbm>>
    tpu.enqueue_dma source(%dma_start3A_300 : memref<32768xf32, #tpu.memory_space<hbm>>) target(%arg6 : memref<32768xf32, #tpu.memory_space<vmem>>) target_semaphore(%arg10 : memref<!tpu.dma_semaphore, #tpu.memory_space<semaphore_mem>>)
    %dma_wait3A_301 = tpu.memref_slice %arg2[%add3A_258] : memref<16777216xf32, #tpu.memory_space<hbm>> -> memref<32768xf32, #tpu.memory_space<hbm>>
    %dma_wait3A_302 = tpu.memref_slice %arg2[%add3A_258] : memref<16777216xf32, #tpu.memory_space<hbm>> -> memref<32768xf32, #tpu.memory_space<hbm>>
    tpu.wait_dma2 semaphore(%arg8 : memref<!tpu.dma_semaphore, #tpu.memory_space<semaphore_mem>>) src(%dma_wait3A_302 : memref<32768xf32, #tpu.memory_space<hbm>>) dst(%arg4 : memref<32768xf32, #tpu.memory_space<vmem>>)
    %add3A_303 = arith.constant 393216 : i32
    %add3A_304 = arith.addi %add3A_37, %add3A_303 : i32
    %dma_start3A_305 = tpu.memref_slice %arg3[%add3A_304] : memref<33554432xf32, #tpu.memory_space<hbm>> -> memref<32768xf32, #tpu.memory_space<hbm>>
    %dma_start3A_306 = tpu.memref_slice %arg3[%add3A_304] : memref<33554432xf32, #tpu.memory_space<hbm>> -> memref<32768xf32, #tpu.memory_space<hbm>>
    tpu.enqueue_dma source(%arg4 : memref<32768xf32, #tpu.memory_space<vmem>>) target(%dma_start3A_306 : memref<32768xf32, #tpu.memory_space<hbm>>) target_semaphore(%arg11 : memref<!tpu.dma_semaphore, #tpu.memory_space<semaphore_mem>>)
    %add3A_307 = arith.constant 393216 : i32
    %add3A_308 = arith.addi %add3A_44, %add3A_307 : i32
    %dma_start3A_309 = tpu.memref_slice %arg3[%add3A_308] : memref<33554432xf32, #tpu.memory_space<hbm>> -> memref<16384xf32, #tpu.memory_space<hbm>>
    %dma_start3A_310 = tpu.memref_slice %arg3[%add3A_308] : memref<33554432xf32, #tpu.memory_space<hbm>> -> memref<16384xf32, #tpu.memory_space<hbm>>
    tpu.enqueue_dma source(%arg7 : memref<16384xf32, #tpu.memory_space<vmem>>) target(%dma_start3A_310 : memref<16384xf32, #tpu.memory_space<hbm>>) target_semaphore(%arg14 : memref<!tpu.dma_semaphore, #tpu.memory_space<semaphore_mem>>)
    %add3A_311 = arith.constant 409600 : i32
    %add3A_312 = arith.addi %add3A_44, %add3A_311 : i32
    %dma_start3A_313 = tpu.memref_slice %arg3[%add3A_312] : memref<33554432xf32, #tpu.memory_space<hbm>> -> memref<16384xf32, #tpu.memory_space<hbm>>
    %dma_start3A_314 = tpu.memref_slice %arg3[%add3A_312] : memref<33554432xf32, #tpu.memory_space<hbm>> -> memref<16384xf32, #tpu.memory_space<hbm>>
    tpu.enqueue_dma source(%arg7 : memref<16384xf32, #tpu.memory_space<vmem>>) target(%dma_start3A_314 : memref<16384xf32, #tpu.memory_space<hbm>>) target_semaphore(%arg14 : memref<!tpu.dma_semaphore, #tpu.memory_space<semaphore_mem>>)
    %dma_wait3A_315 = tpu.memref_slice %arg3[%add3A_304] : memref<33554432xf32, #tpu.memory_space<hbm>> -> memref<32768xf32, #tpu.memory_space<hbm>>
    %dma_wait3A_316 = tpu.memref_slice %arg3[%add3A_304] : memref<33554432xf32, #tpu.memory_space<hbm>> -> memref<32768xf32, #tpu.memory_space<hbm>>
    tpu.wait_dma2 semaphore(%arg11 : memref<!tpu.dma_semaphore, #tpu.memory_space<semaphore_mem>>) src(%arg4 : memref<32768xf32, #tpu.memory_space<vmem>>) dst(%dma_wait3A_316 : memref<32768xf32, #tpu.memory_space<hbm>>)
    %add3A_317 = arith.constant 491520 : i32
    %add3A_318 = arith.addi %mul3A_32, %add3A_317 : i32
    %dma_start3A_319 = tpu.memref_slice %arg2[%add3A_318] : memref<16777216xf32, #tpu.memory_space<hbm>> -> memref<32768xf32, #tpu.memory_space<hbm>>
    %dma_start3A_320 = tpu.memref_slice %arg2[%add3A_318] : memref<16777216xf32, #tpu.memory_space<hbm>> -> memref<32768xf32, #tpu.memory_space<hbm>>
    tpu.enqueue_dma source(%dma_start3A_320 : memref<32768xf32, #tpu.memory_space<hbm>>) target(%arg4 : memref<32768xf32, #tpu.memory_space<vmem>>) target_semaphore(%arg8 : memref<!tpu.dma_semaphore, #tpu.memory_space<semaphore_mem>>)
    %dma_wait3A_321 = tpu.memref_slice %arg2[%add3A_278] : memref<16777216xf32, #tpu.memory_space<hbm>> -> memref<32768xf32, #tpu.memory_space<hbm>>
    %dma_wait3A_322 = tpu.memref_slice %arg2[%add3A_278] : memref<16777216xf32, #tpu.memory_space<hbm>> -> memref<32768xf32, #tpu.memory_space<hbm>>
    tpu.wait_dma2 semaphore(%arg9 : memref<!tpu.dma_semaphore, #tpu.memory_space<semaphore_mem>>) src(%dma_wait3A_322 : memref<32768xf32, #tpu.memory_space<hbm>>) dst(%arg5 : memref<32768xf32, #tpu.memory_space<vmem>>)
    %add3A_323 = arith.constant 425984 : i32
    %add3A_324 = arith.addi %add3A_37, %add3A_323 : i32
    %dma_start3A_325 = tpu.memref_slice %arg3[%add3A_324] : memref<33554432xf32, #tpu.memory_space<hbm>> -> memref<32768xf32, #tpu.memory_space<hbm>>
    %dma_start3A_326 = tpu.memref_slice %arg3[%add3A_324] : memref<33554432xf32, #tpu.memory_space<hbm>> -> memref<32768xf32, #tpu.memory_space<hbm>>
    tpu.enqueue_dma source(%arg5 : memref<32768xf32, #tpu.memory_space<vmem>>) target(%dma_start3A_326 : memref<32768xf32, #tpu.memory_space<hbm>>) target_semaphore(%arg12 : memref<!tpu.dma_semaphore, #tpu.memory_space<semaphore_mem>>)
    %add3A_327 = arith.constant 425984 : i32
    %add3A_328 = arith.addi %add3A_44, %add3A_327 : i32
    %dma_start3A_329 = tpu.memref_slice %arg3[%add3A_328] : memref<33554432xf32, #tpu.memory_space<hbm>> -> memref<16384xf32, #tpu.memory_space<hbm>>
    %dma_start3A_330 = tpu.memref_slice %arg3[%add3A_328] : memref<33554432xf32, #tpu.memory_space<hbm>> -> memref<16384xf32, #tpu.memory_space<hbm>>
    tpu.enqueue_dma source(%arg7 : memref<16384xf32, #tpu.memory_space<vmem>>) target(%dma_start3A_330 : memref<16384xf32, #tpu.memory_space<hbm>>) target_semaphore(%arg14 : memref<!tpu.dma_semaphore, #tpu.memory_space<semaphore_mem>>)
    %add3A_331 = arith.constant 442368 : i32
    %add3A_332 = arith.addi %add3A_44, %add3A_331 : i32
    %dma_start3A_333 = tpu.memref_slice %arg3[%add3A_332] : memref<33554432xf32, #tpu.memory_space<hbm>> -> memref<16384xf32, #tpu.memory_space<hbm>>
    %dma_start3A_334 = tpu.memref_slice %arg3[%add3A_332] : memref<33554432xf32, #tpu.memory_space<hbm>> -> memref<16384xf32, #tpu.memory_space<hbm>>
    tpu.enqueue_dma source(%arg7 : memref<16384xf32, #tpu.memory_space<vmem>>) target(%dma_start3A_334 : memref<16384xf32, #tpu.memory_space<hbm>>) target_semaphore(%arg14 : memref<!tpu.dma_semaphore, #tpu.memory_space<semaphore_mem>>)
    %dma_wait3A_335 = tpu.memref_slice %arg2[%add3A_298] : memref<16777216xf32, #tpu.memory_space<hbm>> -> memref<32768xf32, #tpu.memory_space<hbm>>
    %dma_wait3A_336 = tpu.memref_slice %arg2[%add3A_298] : memref<16777216xf32, #tpu.memory_space<hbm>> -> memref<32768xf32, #tpu.memory_space<hbm>>
    tpu.wait_dma2 semaphore(%arg10 : memref<!tpu.dma_semaphore, #tpu.memory_space<semaphore_mem>>) src(%dma_wait3A_336 : memref<32768xf32, #tpu.memory_space<hbm>>) dst(%arg6 : memref<32768xf32, #tpu.memory_space<vmem>>)
    %add3A_337 = arith.constant 458752 : i32
    %add3A_338 = arith.addi %add3A_37, %add3A_337 : i32
    %dma_start3A_339 = tpu.memref_slice %arg3[%add3A_338] : memref<33554432xf32, #tpu.memory_space<hbm>> -> memref<32768xf32, #tpu.memory_space<hbm>>
    %dma_start3A_340 = tpu.memref_slice %arg3[%add3A_338] : memref<33554432xf32, #tpu.memory_space<hbm>> -> memref<32768xf32, #tpu.memory_space<hbm>>
    tpu.enqueue_dma source(%arg6 : memref<32768xf32, #tpu.memory_space<vmem>>) target(%dma_start3A_340 : memref<32768xf32, #tpu.memory_space<hbm>>) target_semaphore(%arg13 : memref<!tpu.dma_semaphore, #tpu.memory_space<semaphore_mem>>)
    %add3A_341 = arith.constant 458752 : i32
    %add3A_342 = arith.addi %add3A_44, %add3A_341 : i32
    %dma_start3A_343 = tpu.memref_slice %arg3[%add3A_342] : memref<33554432xf32, #tpu.memory_space<hbm>> -> memref<16384xf32, #tpu.memory_space<hbm>>
    %dma_start3A_344 = tpu.memref_slice %arg3[%add3A_342] : memref<33554432xf32, #tpu.memory_space<hbm>> -> memref<16384xf32, #tpu.memory_space<hbm>>
    tpu.enqueue_dma source(%arg7 : memref<16384xf32, #tpu.memory_space<vmem>>) target(%dma_start3A_344 : memref<16384xf32, #tpu.memory_space<hbm>>) target_semaphore(%arg14 : memref<!tpu.dma_semaphore, #tpu.memory_space<semaphore_mem>>)
    %add3A_345 = arith.constant 475136 : i32
    %add3A_346 = arith.addi %add3A_44, %add3A_345 : i32
    %dma_start3A_347 = tpu.memref_slice %arg3[%add3A_346] : memref<33554432xf32, #tpu.memory_space<hbm>> -> memref<16384xf32, #tpu.memory_space<hbm>>
    %dma_start3A_348 = tpu.memref_slice %arg3[%add3A_346] : memref<33554432xf32, #tpu.memory_space<hbm>> -> memref<16384xf32, #tpu.memory_space<hbm>>
    tpu.enqueue_dma source(%arg7 : memref<16384xf32, #tpu.memory_space<vmem>>) target(%dma_start3A_348 : memref<16384xf32, #tpu.memory_space<hbm>>) target_semaphore(%arg14 : memref<!tpu.dma_semaphore, #tpu.memory_space<semaphore_mem>>)
    %dma_wait3A_349 = tpu.memref_slice %arg2[%add3A_318] : memref<16777216xf32, #tpu.memory_space<hbm>> -> memref<32768xf32, #tpu.memory_space<hbm>>
    %dma_wait3A_350 = tpu.memref_slice %arg2[%add3A_318] : memref<16777216xf32, #tpu.memory_space<hbm>> -> memref<32768xf32, #tpu.memory_space<hbm>>
    tpu.wait_dma2 semaphore(%arg8 : memref<!tpu.dma_semaphore, #tpu.memory_space<semaphore_mem>>) src(%dma_wait3A_350 : memref<32768xf32, #tpu.memory_space<hbm>>) dst(%arg4 : memref<32768xf32, #tpu.memory_space<vmem>>)
    %add3A_351 = arith.constant 491520 : i32
    %add3A_352 = arith.addi %add3A_37, %add3A_351 : i32
    %dma_start3A_353 = tpu.memref_slice %arg3[%add3A_352] : memref<33554432xf32, #tpu.memory_space<hbm>> -> memref<32768xf32, #tpu.memory_space<hbm>>
    %dma_start3A_354 = tpu.memref_slice %arg3[%add3A_352] : memref<33554432xf32, #tpu.memory_space<hbm>> -> memref<32768xf32, #tpu.memory_space<hbm>>
    tpu.enqueue_dma source(%arg4 : memref<32768xf32, #tpu.memory_space<vmem>>) target(%dma_start3A_354 : memref<32768xf32, #tpu.memory_space<hbm>>) target_semaphore(%arg11 : memref<!tpu.dma_semaphore, #tpu.memory_space<semaphore_mem>>)
    %add3A_355 = arith.constant 491520 : i32
    %add3A_356 = arith.addi %add3A_44, %add3A_355 : i32
    %dma_start3A_357 = tpu.memref_slice %arg3[%add3A_356] : memref<33554432xf32, #tpu.memory_space<hbm>> -> memref<16384xf32, #tpu.memory_space<hbm>>
    %dma_start3A_358 = tpu.memref_slice %arg3[%add3A_356] : memref<33554432xf32, #tpu.memory_space<hbm>> -> memref<16384xf32, #tpu.memory_space<hbm>>
    tpu.enqueue_dma source(%arg7 : memref<16384xf32, #tpu.memory_space<vmem>>) target(%dma_start3A_358 : memref<16384xf32, #tpu.memory_space<hbm>>) target_semaphore(%arg14 : memref<!tpu.dma_semaphore, #tpu.memory_space<semaphore_mem>>)
    %add3A_359 = arith.constant 507904 : i32
    %add3A_360 = arith.addi %add3A_44, %add3A_359 : i32
    %dma_start3A_361 = tpu.memref_slice %arg3[%add3A_360] : memref<33554432xf32, #tpu.memory_space<hbm>> -> memref<16384xf32, #tpu.memory_space<hbm>>
    %dma_start3A_362 = tpu.memref_slice %arg3[%add3A_360] : memref<33554432xf32, #tpu.memory_space<hbm>> -> memref<16384xf32, #tpu.memory_space<hbm>>
    tpu.enqueue_dma source(%arg7 : memref<16384xf32, #tpu.memory_space<vmem>>) target(%dma_start3A_362 : memref<16384xf32, #tpu.memory_space<hbm>>) target_semaphore(%arg14 : memref<!tpu.dma_semaphore, #tpu.memory_space<semaphore_mem>>)
    %dma_wait3A_363 = tpu.memref_slice %arg3[%add3A_324] : memref<33554432xf32, #tpu.memory_space<hbm>> -> memref<32768xf32, #tpu.memory_space<hbm>>
    %dma_wait3A_364 = tpu.memref_slice %arg3[%add3A_324] : memref<33554432xf32, #tpu.memory_space<hbm>> -> memref<32768xf32, #tpu.memory_space<hbm>>
    tpu.wait_dma2 semaphore(%arg12 : memref<!tpu.dma_semaphore, #tpu.memory_space<semaphore_mem>>) src(%arg5 : memref<32768xf32, #tpu.memory_space<vmem>>) dst(%dma_wait3A_364 : memref<32768xf32, #tpu.memory_space<hbm>>)
    %dma_wait3A_365 = tpu.memref_slice %arg3[%add3A_338] : memref<33554432xf32, #tpu.memory_space<hbm>> -> memref<32768xf32, #tpu.memory_space<hbm>>
    %dma_wait3A_366 = tpu.memref_slice %arg3[%add3A_338] : memref<33554432xf32, #tpu.memory_space<hbm>> -> memref<32768xf32, #tpu.memory_space<hbm>>
    tpu.wait_dma2 semaphore(%arg13 : memref<!tpu.dma_semaphore, #tpu.memory_space<semaphore_mem>>) src(%arg6 : memref<32768xf32, #tpu.memory_space<vmem>>) dst(%dma_wait3A_366 : memref<32768xf32, #tpu.memory_space<hbm>>)
    %dma_wait3A_367 = tpu.memref_slice %arg3[%add3A_352] : memref<33554432xf32, #tpu.memory_space<hbm>> -> memref<32768xf32, #tpu.memory_space<hbm>>
    %dma_wait3A_368 = tpu.memref_slice %arg3[%add3A_352] : memref<33554432xf32, #tpu.memory_space<hbm>> -> memref<32768xf32, #tpu.memory_space<hbm>>
    tpu.wait_dma2 semaphore(%arg11 : memref<!tpu.dma_semaphore, #tpu.memory_space<semaphore_mem>>) src(%arg4 : memref<32768xf32, #tpu.memory_space<vmem>>) dst(%dma_wait3A_368 : memref<32768xf32, #tpu.memory_space<hbm>>)
    %dma_wait3A_369 = tpu.memref_slice %arg3[%add3A_68] : memref<33554432xf32, #tpu.memory_space<hbm>> -> memref<16384xf32, #tpu.memory_space<hbm>>
    %dma_wait3A_370 = tpu.memref_slice %arg3[%add3A_68] : memref<33554432xf32, #tpu.memory_space<hbm>> -> memref<16384xf32, #tpu.memory_space<hbm>>
    tpu.wait_dma2 semaphore(%arg14 : memref<!tpu.dma_semaphore, #tpu.memory_space<semaphore_mem>>) src(%arg7 : memref<16384xf32, #tpu.memory_space<vmem>>) dst(%dma_wait3A_370 : memref<16384xf32, #tpu.memory_space<hbm>>)
    %dma_wait3A_371 = tpu.memref_slice %arg3[%add3A_72] : memref<33554432xf32, #tpu.memory_space<hbm>> -> memref<16384xf32, #tpu.memory_space<hbm>>
    %dma_wait3A_372 = tpu.memref_slice %arg3[%add3A_72] : memref<33554432xf32, #tpu.memory_space<hbm>> -> memref<16384xf32, #tpu.memory_space<hbm>>
    tpu.wait_dma2 semaphore(%arg14 : memref<!tpu.dma_semaphore, #tpu.memory_space<semaphore_mem>>) src(%arg7 : memref<16384xf32, #tpu.memory_space<vmem>>) dst(%dma_wait3A_372 : memref<16384xf32, #tpu.memory_space<hbm>>)
    %dma_wait3A_373 = tpu.memref_slice %arg3[%add3A_88] : memref<33554432xf32, #tpu.memory_space<hbm>> -> memref<16384xf32, #tpu.memory_space<hbm>>
    %dma_wait3A_374 = tpu.memref_slice %arg3[%add3A_88] : memref<33554432xf32, #tpu.memory_space<hbm>> -> memref<16384xf32, #tpu.memory_space<hbm>>
    tpu.wait_dma2 semaphore(%arg14 : memref<!tpu.dma_semaphore, #tpu.memory_space<semaphore_mem>>) src(%arg7 : memref<16384xf32, #tpu.memory_space<vmem>>) dst(%dma_wait3A_374 : memref<16384xf32, #tpu.memory_space<hbm>>)
    %dma_wait3A_375 = tpu.memref_slice %arg3[%add3A_92] : memref<33554432xf32, #tpu.memory_space<hbm>> -> memref<16384xf32, #tpu.memory_space<hbm>>
    %dma_wait3A_376 = tpu.memref_slice %arg3[%add3A_92] : memref<33554432xf32, #tpu.memory_space<hbm>> -> memref<16384xf32, #tpu.memory_space<hbm>>
    tpu.wait_dma2 semaphore(%arg14 : memref<!tpu.dma_semaphore, #tpu.memory_space<semaphore_mem>>) src(%arg7 : memref<16384xf32, #tpu.memory_space<vmem>>) dst(%dma_wait3A_376 : memref<16384xf32, #tpu.memory_space<hbm>>)
    %dma_wait3A_377 = tpu.memref_slice %arg3[%add3A_108] : memref<33554432xf32, #tpu.memory_space<hbm>> -> memref<16384xf32, #tpu.memory_space<hbm>>
    %dma_wait3A_378 = tpu.memref_slice %arg3[%add3A_108] : memref<33554432xf32, #tpu.memory_space<hbm>> -> memref<16384xf32, #tpu.memory_space<hbm>>
    tpu.wait_dma2 semaphore(%arg14 : memref<!tpu.dma_semaphore, #tpu.memory_space<semaphore_mem>>) src(%arg7 : memref<16384xf32, #tpu.memory_space<vmem>>) dst(%dma_wait3A_378 : memref<16384xf32, #tpu.memory_space<hbm>>)
    %dma_wait3A_379 = tpu.memref_slice %arg3[%add3A_112] : memref<33554432xf32, #tpu.memory_space<hbm>> -> memref<16384xf32, #tpu.memory_space<hbm>>
    %dma_wait3A_380 = tpu.memref_slice %arg3[%add3A_112] : memref<33554432xf32, #tpu.memory_space<hbm>> -> memref<16384xf32, #tpu.memory_space<hbm>>
    tpu.wait_dma2 semaphore(%arg14 : memref<!tpu.dma_semaphore, #tpu.memory_space<semaphore_mem>>) src(%arg7 : memref<16384xf32, #tpu.memory_space<vmem>>) dst(%dma_wait3A_380 : memref<16384xf32, #tpu.memory_space<hbm>>)
    %dma_wait3A_381 = tpu.memref_slice %arg3[%add3A_128] : memref<33554432xf32, #tpu.memory_space<hbm>> -> memref<16384xf32, #tpu.memory_space<hbm>>
    %dma_wait3A_382 = tpu.memref_slice %arg3[%add3A_128] : memref<33554432xf32, #tpu.memory_space<hbm>> -> memref<16384xf32, #tpu.memory_space<hbm>>
    tpu.wait_dma2 semaphore(%arg14 : memref<!tpu.dma_semaphore, #tpu.memory_space<semaphore_mem>>) src(%arg7 : memref<16384xf32, #tpu.memory_space<vmem>>) dst(%dma_wait3A_382 : memref<16384xf32, #tpu.memory_space<hbm>>)
    %dma_wait3A_383 = tpu.memref_slice %arg3[%add3A_132] : memref<33554432xf32, #tpu.memory_space<hbm>> -> memref<16384xf32, #tpu.memory_space<hbm>>
    %dma_wait3A_384 = tpu.memref_slice %arg3[%add3A_132] : memref<33554432xf32, #tpu.memory_space<hbm>> -> memref<16384xf32, #tpu.memory_space<hbm>>
    tpu.wait_dma2 semaphore(%arg14 : memref<!tpu.dma_semaphore, #tpu.memory_space<semaphore_mem>>) src(%arg7 : memref<16384xf32, #tpu.memory_space<vmem>>) dst(%dma_wait3A_384 : memref<16384xf32, #tpu.memory_space<hbm>>)
    %dma_wait3A_385 = tpu.memref_slice %arg3[%add3A_148] : memref<33554432xf32, #tpu.memory_space<hbm>> -> memref<16384xf32, #tpu.memory_space<hbm>>
    %dma_wait3A_386 = tpu.memref_slice %arg3[%add3A_148] : memref<33554432xf32, #tpu.memory_space<hbm>> -> memref<16384xf32, #tpu.memory_space<hbm>>
    tpu.wait_dma2 semaphore(%arg14 : memref<!tpu.dma_semaphore, #tpu.memory_space<semaphore_mem>>) src(%arg7 : memref<16384xf32, #tpu.memory_space<vmem>>) dst(%dma_wait3A_386 : memref<16384xf32, #tpu.memory_space<hbm>>)
    %dma_wait3A_387 = tpu.memref_slice %arg3[%add3A_152] : memref<33554432xf32, #tpu.memory_space<hbm>> -> memref<16384xf32, #tpu.memory_space<hbm>>
    %dma_wait3A_388 = tpu.memref_slice %arg3[%add3A_152] : memref<33554432xf32, #tpu.memory_space<hbm>> -> memref<16384xf32, #tpu.memory_space<hbm>>
    tpu.wait_dma2 semaphore(%arg14 : memref<!tpu.dma_semaphore, #tpu.memory_space<semaphore_mem>>) src(%arg7 : memref<16384xf32, #tpu.memory_space<vmem>>) dst(%dma_wait3A_388 : memref<16384xf32, #tpu.memory_space<hbm>>)
    %dma_wait3A_389 = tpu.memref_slice %arg3[%add3A_168] : memref<33554432xf32, #tpu.memory_space<hbm>> -> memref<16384xf32, #tpu.memory_space<hbm>>
    %dma_wait3A_390 = tpu.memref_slice %arg3[%add3A_168] : memref<33554432xf32, #tpu.memory_space<hbm>> -> memref<16384xf32, #tpu.memory_space<hbm>>
    tpu.wait_dma2 semaphore(%arg14 : memref<!tpu.dma_semaphore, #tpu.memory_space<semaphore_mem>>) src(%arg7 : memref<16384xf32, #tpu.memory_space<vmem>>) dst(%dma_wait3A_390 : memref<16384xf32, #tpu.memory_space<hbm>>)
    %dma_wait3A_391 = tpu.memref_slice %arg3[%add3A_172] : memref<33554432xf32, #tpu.memory_space<hbm>> -> memref<16384xf32, #tpu.memory_space<hbm>>
    %dma_wait3A_392 = tpu.memref_slice %arg3[%add3A_172] : memref<33554432xf32, #tpu.memory_space<hbm>> -> memref<16384xf32, #tpu.memory_space<hbm>>
    tpu.wait_dma2 semaphore(%arg14 : memref<!tpu.dma_semaphore, #tpu.memory_space<semaphore_mem>>) src(%arg7 : memref<16384xf32, #tpu.memory_space<vmem>>) dst(%dma_wait3A_392 : memref<16384xf32, #tpu.memory_space<hbm>>)
    %dma_wait3A_393 = tpu.memref_slice %arg3[%add3A_188] : memref<33554432xf32, #tpu.memory_space<hbm>> -> memref<16384xf32, #tpu.memory_space<hbm>>
    %dma_wait3A_394 = tpu.memref_slice %arg3[%add3A_188] : memref<33554432xf32, #tpu.memory_space<hbm>> -> memref<16384xf32, #tpu.memory_space<hbm>>
    tpu.wait_dma2 semaphore(%arg14 : memref<!tpu.dma_semaphore, #tpu.memory_space<semaphore_mem>>) src(%arg7 : memref<16384xf32, #tpu.memory_space<vmem>>) dst(%dma_wait3A_394 : memref<16384xf32, #tpu.memory_space<hbm>>)
    %dma_wait3A_395 = tpu.memref_slice %arg3[%add3A_192] : memref<33554432xf32, #tpu.memory_space<hbm>> -> memref<16384xf32, #tpu.memory_space<hbm>>
    %dma_wait3A_396 = tpu.memref_slice %arg3[%add3A_192] : memref<33554432xf32, #tpu.memory_space<hbm>> -> memref<16384xf32, #tpu.memory_space<hbm>>
    tpu.wait_dma2 semaphore(%arg14 : memref<!tpu.dma_semaphore, #tpu.memory_space<semaphore_mem>>) src(%arg7 : memref<16384xf32, #tpu.memory_space<vmem>>) dst(%dma_wait3A_396 : memref<16384xf32, #tpu.memory_space<hbm>>)
    %dma_wait3A_397 = tpu.memref_slice %arg3[%add3A_208] : memref<33554432xf32, #tpu.memory_space<hbm>> -> memref<16384xf32, #tpu.memory_space<hbm>>
    %dma_wait3A_398 = tpu.memref_slice %arg3[%add3A_208] : memref<33554432xf32, #tpu.memory_space<hbm>> -> memref<16384xf32, #tpu.memory_space<hbm>>
    tpu.wait_dma2 semaphore(%arg14 : memref<!tpu.dma_semaphore, #tpu.memory_space<semaphore_mem>>) src(%arg7 : memref<16384xf32, #tpu.memory_space<vmem>>) dst(%dma_wait3A_398 : memref<16384xf32, #tpu.memory_space<hbm>>)
    %dma_wait3A_399 = tpu.memref_slice %arg3[%add3A_212] : memref<33554432xf32, #tpu.memory_space<hbm>> -> memref<16384xf32, #tpu.memory_space<hbm>>
    %dma_wait3A_400 = tpu.memref_slice %arg3[%add3A_212] : memref<33554432xf32, #tpu.memory_space<hbm>> -> memref<16384xf32, #tpu.memory_space<hbm>>
    tpu.wait_dma2 semaphore(%arg14 : memref<!tpu.dma_semaphore, #tpu.memory_space<semaphore_mem>>) src(%arg7 : memref<16384xf32, #tpu.memory_space<vmem>>) dst(%dma_wait3A_400 : memref<16384xf32, #tpu.memory_space<hbm>>)
    %dma_wait3A_401 = tpu.memref_slice %arg3[%add3A_228] : memref<33554432xf32, #tpu.memory_space<hbm>> -> memref<16384xf32, #tpu.memory_space<hbm>>
    %dma_wait3A_402 = tpu.memref_slice %arg3[%add3A_228] : memref<33554432xf32, #tpu.memory_space<hbm>> -> memref<16384xf32, #tpu.memory_space<hbm>>
    tpu.wait_dma2 semaphore(%arg14 : memref<!tpu.dma_semaphore, #tpu.memory_space<semaphore_mem>>) src(%arg7 : memref<16384xf32, #tpu.memory_space<vmem>>) dst(%dma_wait3A_402 : memref<16384xf32, #tpu.memory_space<hbm>>)
    %dma_wait3A_403 = tpu.memref_slice %arg3[%add3A_232] : memref<33554432xf32, #tpu.memory_space<hbm>> -> memref<16384xf32, #tpu.memory_space<hbm>>
    %dma_wait3A_404 = tpu.memref_slice %arg3[%add3A_232] : memref<33554432xf32, #tpu.memory_space<hbm>> -> memref<16384xf32, #tpu.memory_space<hbm>>
    tpu.wait_dma2 semaphore(%arg14 : memref<!tpu.dma_semaphore, #tpu.memory_space<semaphore_mem>>) src(%arg7 : memref<16384xf32, #tpu.memory_space<vmem>>) dst(%dma_wait3A_404 : memref<16384xf32, #tpu.memory_space<hbm>>)
    %dma_wait3A_405 = tpu.memref_slice %arg3[%add3A_248] : memref<33554432xf32, #tpu.memory_space<hbm>> -> memref<16384xf32, #tpu.memory_space<hbm>>
    %dma_wait3A_406 = tpu.memref_slice %arg3[%add3A_248] : memref<33554432xf32, #tpu.memory_space<hbm>> -> memref<16384xf32, #tpu.memory_space<hbm>>
    tpu.wait_dma2 semaphore(%arg14 : memref<!tpu.dma_semaphore, #tpu.memory_space<semaphore_mem>>) src(%arg7 : memref<16384xf32, #tpu.memory_space<vmem>>) dst(%dma_wait3A_406 : memref<16384xf32, #tpu.memory_space<hbm>>)
    %dma_wait3A_407 = tpu.memref_slice %arg3[%add3A_252] : memref<33554432xf32, #tpu.memory_space<hbm>> -> memref<16384xf32, #tpu.memory_space<hbm>>
    %dma_wait3A_408 = tpu.memref_slice %arg3[%add3A_252] : memref<33554432xf32, #tpu.memory_space<hbm>> -> memref<16384xf32, #tpu.memory_space<hbm>>
    tpu.wait_dma2 semaphore(%arg14 : memref<!tpu.dma_semaphore, #tpu.memory_space<semaphore_mem>>) src(%arg7 : memref<16384xf32, #tpu.memory_space<vmem>>) dst(%dma_wait3A_408 : memref<16384xf32, #tpu.memory_space<hbm>>)
    %dma_wait3A_409 = tpu.memref_slice %arg3[%add3A_268] : memref<33554432xf32, #tpu.memory_space<hbm>> -> memref<16384xf32, #tpu.memory_space<hbm>>
    %dma_wait3A_410 = tpu.memref_slice %arg3[%add3A_268] : memref<33554432xf32, #tpu.memory_space<hbm>> -> memref<16384xf32, #tpu.memory_space<hbm>>
    tpu.wait_dma2 semaphore(%arg14 : memref<!tpu.dma_semaphore, #tpu.memory_space<semaphore_mem>>) src(%arg7 : memref<16384xf32, #tpu.memory_space<vmem>>) dst(%dma_wait3A_410 : memref<16384xf32, #tpu.memory_space<hbm>>)
    %dma_wait3A_411 = tpu.memref_slice %arg3[%add3A_272] : memref<33554432xf32, #tpu.memory_space<hbm>> -> memref<16384xf32, #tpu.memory_space<hbm>>
    %dma_wait3A_412 = tpu.memref_slice %arg3[%add3A_272] : memref<33554432xf32, #tpu.memory_space<hbm>> -> memref<16384xf32, #tpu.memory_space<hbm>>
    tpu.wait_dma2 semaphore(%arg14 : memref<!tpu.dma_semaphore, #tpu.memory_space<semaphore_mem>>) src(%arg7 : memref<16384xf32, #tpu.memory_space<vmem>>) dst(%dma_wait3A_412 : memref<16384xf32, #tpu.memory_space<hbm>>)
    %dma_wait3A_413 = tpu.memref_slice %arg3[%add3A_288] : memref<33554432xf32, #tpu.memory_space<hbm>> -> memref<16384xf32, #tpu.memory_space<hbm>>
    %dma_wait3A_414 = tpu.memref_slice %arg3[%add3A_288] : memref<33554432xf32, #tpu.memory_space<hbm>> -> memref<16384xf32, #tpu.memory_space<hbm>>
    tpu.wait_dma2 semaphore(%arg14 : memref<!tpu.dma_semaphore, #tpu.memory_space<semaphore_mem>>) src(%arg7 : memref<16384xf32, #tpu.memory_space<vmem>>) dst(%dma_wait3A_414 : memref<16384xf32, #tpu.memory_space<hbm>>)
    %dma_wait3A_415 = tpu.memref_slice %arg3[%add3A_292] : memref<33554432xf32, #tpu.memory_space<hbm>> -> memref<16384xf32, #tpu.memory_space<hbm>>
    %dma_wait3A_416 = tpu.memref_slice %arg3[%add3A_292] : memref<33554432xf32, #tpu.memory_space<hbm>> -> memref<16384xf32, #tpu.memory_space<hbm>>
    tpu.wait_dma2 semaphore(%arg14 : memref<!tpu.dma_semaphore, #tpu.memory_space<semaphore_mem>>) src(%arg7 : memref<16384xf32, #tpu.memory_space<vmem>>) dst(%dma_wait3A_416 : memref<16384xf32, #tpu.memory_space<hbm>>)
    %dma_wait3A_417 = tpu.memref_slice %arg3[%add3A_308] : memref<33554432xf32, #tpu.memory_space<hbm>> -> memref<16384xf32, #tpu.memory_space<hbm>>
    %dma_wait3A_418 = tpu.memref_slice %arg3[%add3A_308] : memref<33554432xf32, #tpu.memory_space<hbm>> -> memref<16384xf32, #tpu.memory_space<hbm>>
    tpu.wait_dma2 semaphore(%arg14 : memref<!tpu.dma_semaphore, #tpu.memory_space<semaphore_mem>>) src(%arg7 : memref<16384xf32, #tpu.memory_space<vmem>>) dst(%dma_wait3A_418 : memref<16384xf32, #tpu.memory_space<hbm>>)
    %dma_wait3A_419 = tpu.memref_slice %arg3[%add3A_312] : memref<33554432xf32, #tpu.memory_space<hbm>> -> memref<16384xf32, #tpu.memory_space<hbm>>
    %dma_wait3A_420 = tpu.memref_slice %arg3[%add3A_312] : memref<33554432xf32, #tpu.memory_space<hbm>> -> memref<16384xf32, #tpu.memory_space<hbm>>
    tpu.wait_dma2 semaphore(%arg14 : memref<!tpu.dma_semaphore, #tpu.memory_space<semaphore_mem>>) src(%arg7 : memref<16384xf32, #tpu.memory_space<vmem>>) dst(%dma_wait3A_420 : memref<16384xf32, #tpu.memory_space<hbm>>)
    %dma_wait3A_421 = tpu.memref_slice %arg3[%add3A_328] : memref<33554432xf32, #tpu.memory_space<hbm>> -> memref<16384xf32, #tpu.memory_space<hbm>>
    %dma_wait3A_422 = tpu.memref_slice %arg3[%add3A_328] : memref<33554432xf32, #tpu.memory_space<hbm>> -> memref<16384xf32, #tpu.memory_space<hbm>>
    tpu.wait_dma2 semaphore(%arg14 : memref<!tpu.dma_semaphore, #tpu.memory_space<semaphore_mem>>) src(%arg7 : memref<16384xf32, #tpu.memory_space<vmem>>) dst(%dma_wait3A_422 : memref<16384xf32, #tpu.memory_space<hbm>>)
    %dma_wait3A_423 = tpu.memref_slice %arg3[%add3A_332] : memref<33554432xf32, #tpu.memory_space<hbm>> -> memref<16384xf32, #tpu.memory_space<hbm>>
    %dma_wait3A_424 = tpu.memref_slice %arg3[%add3A_332] : memref<33554432xf32, #tpu.memory_space<hbm>> -> memref<16384xf32, #tpu.memory_space<hbm>>
    tpu.wait_dma2 semaphore(%arg14 : memref<!tpu.dma_semaphore, #tpu.memory_space<semaphore_mem>>) src(%arg7 : memref<16384xf32, #tpu.memory_space<vmem>>) dst(%dma_wait3A_424 : memref<16384xf32, #tpu.memory_space<hbm>>)
    %dma_wait3A_425 = tpu.memref_slice %arg3[%add3A_342] : memref<33554432xf32, #tpu.memory_space<hbm>> -> memref<16384xf32, #tpu.memory_space<hbm>>
    %dma_wait3A_426 = tpu.memref_slice %arg3[%add3A_342] : memref<33554432xf32, #tpu.memory_space<hbm>> -> memref<16384xf32, #tpu.memory_space<hbm>>
    tpu.wait_dma2 semaphore(%arg14 : memref<!tpu.dma_semaphore, #tpu.memory_space<semaphore_mem>>) src(%arg7 : memref<16384xf32, #tpu.memory_space<vmem>>) dst(%dma_wait3A_426 : memref<16384xf32, #tpu.memory_space<hbm>>)
    %dma_wait3A_427 = tpu.memref_slice %arg3[%add3A_346] : memref<33554432xf32, #tpu.memory_space<hbm>> -> memref<16384xf32, #tpu.memory_space<hbm>>
    %dma_wait3A_428 = tpu.memref_slice %arg3[%add3A_346] : memref<33554432xf32, #tpu.memory_space<hbm>> -> memref<16384xf32, #tpu.memory_space<hbm>>
    tpu.wait_dma2 semaphore(%arg14 : memref<!tpu.dma_semaphore, #tpu.memory_space<semaphore_mem>>) src(%arg7 : memref<16384xf32, #tpu.memory_space<vmem>>) dst(%dma_wait3A_428 : memref<16384xf32, #tpu.memory_space<hbm>>)
    %dma_wait3A_429 = tpu.memref_slice %arg3[%add3A_356] : memref<33554432xf32, #tpu.memory_space<hbm>> -> memref<16384xf32, #tpu.memory_space<hbm>>
    %dma_wait3A_430 = tpu.memref_slice %arg3[%add3A_356] : memref<33554432xf32, #tpu.memory_space<hbm>> -> memref<16384xf32, #tpu.memory_space<hbm>>
    tpu.wait_dma2 semaphore(%arg14 : memref<!tpu.dma_semaphore, #tpu.memory_space<semaphore_mem>>) src(%arg7 : memref<16384xf32, #tpu.memory_space<vmem>>) dst(%dma_wait3A_430 : memref<16384xf32, #tpu.memory_space<hbm>>)
    %dma_wait3A_431 = tpu.memref_slice %arg3[%add3A_360] : memref<33554432xf32, #tpu.memory_space<hbm>> -> memref<16384xf32, #tpu.memory_space<hbm>>
    %dma_wait3A_432 = tpu.memref_slice %arg3[%add3A_360] : memref<33554432xf32, #tpu.memory_space<hbm>> -> memref<16384xf32, #tpu.memory_space<hbm>>
    tpu.wait_dma2 semaphore(%arg14 : memref<!tpu.dma_semaphore, #tpu.memory_space<semaphore_mem>>) src(%arg7 : memref<16384xf32, #tpu.memory_space<vmem>>) dst(%dma_wait3A_432 : memref<16384xf32, #tpu.memory_space<hbm>>)
    return
  }
}

</mosaic_0001>

<sc_bundles>
// kernel: kernel.3.cloned.1.call-start
scs
__scs_entry_jumppad:
0x0: {  	(pc) =	sbr.rel $0x88, $3  }
0x1: {  	(tag) =	ssettag $0x0;
	lr =	simm.s32 $0x1  }
0x2: {  	[smem:$0x3FA0] =	sst lr;
	_ =	strace $0xD0000000  }
0x3: {  	_ = 	snop  }
0x4: {  	_ = 	snop  }
0x5: {  	_ = 	snop  }
0x6: {  	_ = 	snop  }
0x7: {  	_ = 	snop  }
__scs_overlays_trampoline_lowered:
0x8: {  	[smem:$0x3FAF] =	sst s0  }
0x9: {  	[smem:$0x3FB0] =	sst s1  }
0xa: {  	[smem:$0x3FB1] =	sst s2  }
0xb: {  	[smem:$0x3FB2] =	sst s3  }
0xc: {  	[smem:$0x3FB3] =	sst s4  }
0xd: {  	[smem:$0x3FB4] =	sst s5  }
0xe: {  	[smem:$0x3FB5] =	sst s6  }
0xf: {  	[smem:$0x3FB6] =	sst s7  }
0x10: {  	[smem:$0x3FB7] =	sst s8  }
0x11: {  	[smem:$0x3FB8] =	sst s9;
	s0 =	simm.s32 @!p0 $0x0  }
0x12: {  	s1 =	sld [smem:$0x3F9E];
	s0 =	simm.s32 @p0 $0x1  }
0x13: {  	[smem:$0x3FB9] =	sst s0;
	s0 =	simm.s32 @!p1 $0x0  }
0x14: {  	s2 =	sld [smem:$0x3F9D];
	s0 =	simm.s32 @p1 $0x1  }
0x15: {  	[smem:$0x3FBA] =	sst s0;
	s0 =	simm.s32 @!p2 $0x0  }
0x16: {  	s3 =	sld [smem:$0x3FDB];
	s0 =	simm.s32 @p2 $0x1  }
0x17: {  	s4 =	simm.s32 $0x1BF5;
	[smem:$0x3FBC] =	sst s0  }
0x18: {  	s0 =	sld [smem:$0x3F9F];
	_ =	swait.ge [sflag:s4], $0x0  }
0x19: {  	s7 =	sld [smem:$0x3FA0]  }
0x1a: {  	s8 =	sadd.s32 $0xFFFFE003, lr  }
0x1b: {  	s9 =	sadd.s32 $0xFFFFFEF7, lr;
	s5 =	simm.s32 $0xFFFFFFFF;
	p2 =	slt.u32 s8, $0xFFFFF086  }
0x1c: {  	p1 =	slt.u32 s9, $0xF7A;
	s5 =	simm.s32 @!p2 $0x0  }
0x1d: {  	s5 =	simm.s32 @p1 $0x1;
	p0 =	seq.s32 s7, s2  }
0x1e: {  	s7 =	smul.u32 @!p0 $0xF7A, s2;
	p2 =	seq.s32 @!p0 s5, $0x0  }
0x1f: {  	s9 =	smul.u32 $0xF7A, s1;
	s8 =	simm.s32 @!p0 $0x1BF5;
	p2 =	por !p2, p0  }
0x20: {  	[sflag:s8] =	ssyncset.s32 @!p0 $0xFFFFF086;
	s6 =	sadd.s32 @!p0 s3, s7;
	s7 =	simm.s32 @!p0 $0x108  }
0x21: {  	s3 =	sadd.s32 s3, s9;
	s6 =	sadd.s32 @!p0 $0x88, s6;
	s7 =	simm.s32 @p2 $0x1082  }
0x22: {  	[simem:s7], [sflag:s8] =	dma.local @!p0 [hbm:s6], $0xF7A  }
0x23: {  	s9 =	sor.u32 $0xD0000000, s2;
	s6 =	simm.s32 $0x108;
	_ =	swait.ge @!p0 [sflag:s8], $0x0  }
0x24: {  	s3 =	sadd.s32 $0x88, s3;
	s6 =	simm.s32 @!p1 $0x1082;
	[sflag:s4] =	ssyncset.s32 $0xFFFFF086  }
0x25: {  	[simem:s6], [sflag:s4] =	dma.local [hbm:s3], $0xF7A  }
0x26: {  	[smem:$0x3FA0] =	sst s1;
	(tag) =	ssettag s2;
	_ =	strace s9  }
0x27: {  	s1 =	sld [smem:$0x3FB0]  }
0x28: {  	s2 =	sld [smem:$0x3FB1]  }
0x29: {  	s4 =	sld [smem:$0x3FB3]  }
0x2a: {  	p0 =	seq.s32 s5, $0x0;
	s5 =	sld [smem:$0x3FB4]  }
0x2b: {  	s6 =	sld [smem:$0x3FB5]  }
0x2c: {  	s7 =	sld [smem:$0x3FB6]  }
0x2d: {  	s3 =	simm.s32 $0x108;
	s8 =	sld [smem:$0x3FB7]  }
0x2e: {  	s3 =	simm.s32 @!p0 $0x1082;
	s9 =	sld [smem:$0x3FB8]  }
0x2f: {  	lr =	sadd.s32 s0, s3;
	s0 =	sld [smem:$0x3FAF]  }
0x30: {  	s3 =	sld [smem:$0x3FB2]  }
0x31: {  	[smem:$0x3FBB] =	sst s10  }
0x32: {  	s10 =	sld [smem:$0x3FB9];
	_ =	sdelay $0x3  }
0x33: {  	p0 =	seq.s32 s10, $0x1;
	s10 =	sld [smem:$0x3FBB];
	_ =	sdelay $0x3  }
0x34: {  	[smem:$0x3FBB] =	sst s10  }
0x35: {  	s10 =	sld [smem:$0x3FBA];
	_ =	sdelay $0x3  }
0x36: {  	p1 =	seq.s32 s10, $0x1;
	s10 =	sld [smem:$0x3FBB];
	_ =	sdelay $0x3  }
0x37: {  	[smem:$0x3FBB] =	sst s10  }
0x38: {  	s10 =	sld [smem:$0x3FBC]  }
0x39: {  	_ = 	snop;
	(pc) =	sbr.ind lr, $3  }
0x3a: {  	_ = 	snop  }
0x3b: {  	_ = 	snop  }
0x3c: {  	p2 =	seq.s32 s10, $0x1;
	s10 =	sld [smem:$0x3FBB]  }
0x3d: {  	_ =	shalt  }
0x3e: {  	_ =	shalt  }
0x3f: {  	_ =	shalt  }
0x40: {  	_ =	shalt  }
0x41: {  	_ =	shalt  }
0x42: {  	_ =	shalt  }
0x43: {  	_ =	shalt  }
0x44: {  	_ =	shalt  }
0x45: {  	_ =	shalt  }
0x46: {  	_ =	shalt  }
0x47: {  	_ =	shalt  }
0x48: {  	_ =	shalt  }
0x49: {  	_ =	shalt  }
0x4a: {  	_ =	shalt  }
0x4b: {  	_ =	shalt  }
0x4c: {  	_ =	shalt  }
0x4d: {  	_ =	shalt  }
0x4e: {  	_ =	shalt  }
0x4f: {  	_ =	shalt  }
0x50: {  	_ =	shalt  }
0x51: {  	_ =	shalt  }
0x52: {  	_ =	shalt  }
0x53: {  	_ =	shalt  }
0x54: {  	_ =	shalt  }
0x55: {  	_ =	shalt  }
0x56: {  	_ =	shalt  }
0x57: {  	_ =	shalt  }
0x58: {  	_ =	shalt  }
0x59: {  	_ =	shalt  }
0x5a: {  	_ =	shalt  }
0x5b: {  	_ =	shalt  }
0x5c: {  	_ =	shalt  }
0x5d: {  	_ =	shalt  }
0x5e: {  	_ =	shalt  }
0x5f: {  	_ =	shalt  }
0x60: {  	_ =	shalt  }
0x61: {  	_ =	shalt  }
0x62: {  	_ =	shalt  }
0x63: {  	_ =	shalt  }
0x64: {  	_ =	shalt  }
0x65: {  	_ =	shalt  }
0x66: {  	_ =	shalt  }
0x67: {  	_ =	shalt  }
0x68: {  	_ =	shalt  }
0x69: {  	_ =	shalt  }
0x6a: {  	_ =	shalt  }
0x6b: {  	_ =	shalt  }
0x6c: {  	_ =	shalt  }
0x6d: {  	_ =	shalt  }
0x6e: {  	_ =	shalt  }
0x6f: {  	_ =	shalt  }
0x70: {  	_ =	shalt  }
0x71: {  	_ =	shalt  }
0x72: {  	_ =	shalt  }
0x73: {  	_ =	shalt  }
0x74: {  	_ =	shalt  }
0x75: {  	_ =	shalt  }
0x76: {  	_ =	shalt  }
0x77: {  	_ =	shalt  }
0x78: {  	_ =	shalt  }
0x79: {  	_ =	shalt  }
0x7a: {  	_ =	shalt  }
0x7b: {  	_ =	shalt  }
0x7c: {  	_ =	shalt  }
0x7d: {  	_ =	shalt  }
0x7e: {  	_ =	shalt  }
0x7f: {  	_ =	shalt  }
0x80: {  	_ =	shalt  }
0x81: {  	_ =	shalt  }
0x82: {  	_ =	shalt  }
0x83: {  	_ =	shalt  }
0x84: {  	_ =	shalt  }
0x85: {  	_ =	shalt  }
0x86: {  	_ =	shalt  }
0x87: {  	_ =	shalt  }
.Lfunc_end0:
.L_simem_size_0:
called_computation_lowered:
.L_overlay_start_0:
0x88: {  	s2 =	sld [smem:$0x3FD9]  }
0x89: {  	s3 =	sld [smem:$0x3FFE];
	_ =	sdelay $0x1  }
0x8a: {  	s1 =	srdreg.scid  }
0x8b: {  	s0 =	sand.u32 $0x1, s1  }
0x8c: {  	s18 =	sshll.u32 s0, $0xA;
	s2 =	sadd.s32 s3, s2  }
0x8d: {  	s2 =	sadd.s32 s2, s18  }
0x8e: {  	[smem:$0x3FC7] =	sst s2  }
0x8f: {  	_ = 	snop  }
0x90: {  	s2 =	sld [smem:$0x3FC9]  }
0x91: {  	s19 =	sld [smem:$0x3FD0];
	(tm) =	ssettm $0x1  }
0x92: {  	s4 =	sld [smem:$0x3FFB];
	_ =	sdelay $0x3  }
0x93: {  	_ =	strace s4  }
0x94: {  	s4 =	sld [smem:$0x3FFC];
	_ =	sdelay $0x3  }
0x95: {  	_ =	strace s4  }
0x96: {  	s4 =	sld [smem:$0x3FFD];
	_ =	sdelay $0x3  }
0x97: {  	_ =	strace s4  }
0x98: {  	_ =	strace $0x8FFFFFFF  }
0x99: {  	s20 =	sld [smem:$0x3FDB];
	_ =	sdelay $0x1  }
0x9a: {  	s5 =	simm.s32 $_scs_section_size  }
0x9b: {  	s6 =	simm.s32 $_size__tile_overlayer_lowered;
	s7 =	simm.s32 $_tile_overlayer_lowered  }
0x9c: {  	s23 =	simm.s32 $0x1BFF;
	s22 =	sshll.u32 s7, $0x1;
	s4 =	sadd.s32 s5, s20  }
0x9d: {  	s8 =	simm.s32 $0x0;
	s21 =	sshll.u32 s6, $0x1;
	s6 =	sadd.s32 s22, s4  }
0x9e: {  	[timem:s8], [sflag:s23] =	dma.local [hbm:s6], s21  }
0x9f: {  	_ =	swait.ge [sflag:s23], s21  }
0xa0: {  	s5 =	ssub.s32 $0x0, s21;
	[sflag:s23] =	ssyncset.done $0x0  }
0xa1: {  	[sflag:s23] =	ssyncadd.s32 s5;
	_ =	sdelay $0x1  }
0xa2: {  	s24 =	simm.s32 $0x1B8B  }
0xa3: {  	_ =	swait.ge [sflag:s24], $0x1  }
0xa4: {  	[sflag:s24] =	ssyncset.done $0x0  }
0xa5: {  	s25 =	simm.s32 $0x1B8E;
	[sflag:s24] =	ssyncadd.s32 $0xFFFFFFFF  }
0xa6: {  	s26 =	simm.s32 $execute0_lowered;
	[smem:$0x3FD2] =	sst s25  }
0xa7: {  	s5 =	sshll.u32 s26, $0x1;
	_ =	strace $0x80000046;
	[dreg:$0x1] =	wrdreg $0xFFFFFFFF  }
0xa8: {  	s28 =	simm.s32 $_size_execute0_lowered;
	s4 =	sadd.s32 s4, s5;
	[dreg:$0x0] =	wrdreg $0x0  }
0xa9: {  	s5 =	sshll.u32 s28, $0x1;
	[dreg:$0x2] =	wrdreg s4  }
0xaa: {  	[dreg:$0x3] =	wrdreg s5  }
0xab: {  	[dreg:$0x4] =	wrdreg $0xC0  }
0xac: {  	_ =	task [dreg:s8], $0x5FFFF  }
0xad: {  	[dreg:$0x1] =	wrdreg $0xFFFFFFFF  }
0xae: {  	[dreg:$0x0] =	wrdreg $0x60  }
0xaf: {  	[dreg:$0x2] =	wrdreg s2  }
0xb0: {  	[dreg:$0x3] =	wrdreg s19  }
0xb1: {  	[dreg:$0x4] =	wrdreg $0x9  }
0xb2: {  	_ =	task.clear_ibuf [dreg:s8], $0x5FFFF;
	_ =	strace $0x90000046  }
0xb3: {  	s29 =	simm.s32 $0x9;
	_ =	strace $0x80000048  }
0xb4: {  	_ =	swait.ge [sflag:s29], $0x1  }
0xb5: {  	[sflag:s29] =	ssyncadd.s32 $0xFFFFFFFF  }
0xb6: {  	_ =	strace $0x90000048  }
0xb7: {  	_ =	sfence  }
0xb8: {  	s30 =	sld [smem:$0x0];
	_ =	sdelay $0x2  }
0xb9: {  	s31 =	sshll.u32 s1, $0xD;
	s1 =	sshrl.u32 s1, $0x2  }
0xba: {  	s3 =	sand.u32 $0x4000, s31;
	s1 =	sadd.s32 s1, s30  }
0xbb: {  	s0 =	sor.u32 s3, s0;
	s1 =	sshll.u32 s1, $0x11  }
0xbc: {  	s0 =	sor.u32 s1, s0  }
0xbd: {  	s0 =	sadd.s32 $0x8F2B, s0  }
0xbe: {  	[sflag:s0] =	ssyncadd.remote.s32 $0x1  }
0xbf: {  	_ =	sfence.sel $0xFFFF  }
0xc0: {  	[dreg:$0x0] =	wrdreg $0xFFFFFFFF;
	(pc) =	sbr.abs _section_cstart, $3  }
0xc1: {  	[dreg:$0x1] =	wrdreg $0xFFFFFFFF  }
0xc2: {  	_ =	task.clear_ibuf [dreg:s8], $0x2FFFF;
	_ =	strace $0x9FFFFFFF  }
0xc3: {  	(tm) =	ssettm $0x7FFFFFFF  }
tec
execute0_lowered:
.L_overlay_start_1:
0x0: {  	(tag) =	ssettag $0x1  }
0x1: {  	s3 =	srdreg.scid  }
0x2: {  	s0 =	rddreg [dreg:$0x0];
	s6 =	stileid.u32;
	s3 =	sand.u32 $0x1, s3  }
0x3: {  	s4 =	sshll.u32 s6, $0x11;
	s5 =	sshll.u32 s3, $0x10;
	s3 =	ssub.s32 $0x2, s3  }
0x4: {  	s1 =	rddreg [dreg:$0x1];
	s4 =	sor.u32 s5, s4;
	s24 =	sshrl.u32 s3, $0x1  }
0x5: {  	s2 =	simm.s32 $0x0;
	s5 =	ssub.s32 s3, s24;
	s3 =	sadd.s32 s0, s4  }
0x6: {  	[smem:$0x7FF] =	sst s2;
	s0 =	sadd.s32 $0x1000, s3  }
0x7: {  	_ =	strace $0x80000047;
	s25 =	sadd.s32 $0x2000, s3;
	[dreg:$0x3] =	wrdreg s0  }
0x8: {  	s7 =	sand.u32 $0x30000, s4;
	s4 =	sadd.s32 $0x3000, s3;
	[dreg:$0x4] =	wrdreg s25  }
0x9: {  	s10 =	sadd.s32 $0x4000, s3;
	[dreg:$0x7] =	wrdreg s4  }
0xa: {  	s6 =	sshll.u32 s6, $0x12;
	s14 =	sadd.s32 $0x5000, s3;
	[dreg:$0xb] =	wrdreg s10  }
0xb: {  	s6 =	sand.u32 $0x380000, s6;
	s18 =	sadd.s32 $0x6000, s3;
	[dreg:$0xf] =	wrdreg s14  }
0xc: {  	s6 =	sor.u32 s6, s7;
	s22 =	smax.u32 s5, $0x1;
	[dreg:$0x13] =	wrdreg s18  }
0xd: {  	s23 =	sadd.s32 $0x7000, s3;
	s6 =	sadd.s32 s1, s6;
	[dreg:$0x17] =	wrdreg s22  }
0xe: {  	[dreg:$0x18] =	wrdreg s23;
	s26 =	sadd.s32 $0x40000, s6  }
0xf: {  	s1 =	sadd.s32 $0x40800, s6;
	[dreg:$0x5] =	wrdreg s26  }
0x10: {  	s7 =	sadd.s32 $0x1000, s6;
	[dreg:$0x6] =	wrdreg s1  }
0x11: {  	s8 =	sadd.s32 $0x41000, s6;
	[dreg:$0x8] =	wrdreg s7  }
0x12: {  	s9 =	sadd.s32 $0x41800, s6;
	[dreg:$0x9] =	wrdreg s8  }
0x13: {  	s11 =	sadd.s32 $0x2000, s6;
	[dreg:$0xa] =	wrdreg s9  }
0x14: {  	s12 =	sadd.s32 $0x42000, s6;
	[dreg:$0xc] =	wrdreg s11  }
0x15: {  	s13 =	sadd.s32 $0x42800, s6;
	[dreg:$0xd] =	wrdreg s12  }
0x16: {  	s15 =	sadd.s32 $0x3000, s6;
	[dreg:$0xe] =	wrdreg s13  }
0x17: {  	s16 =	sadd.s32 $0x43000, s6;
	[dreg:$0x10] =	wrdreg s15  }
0x18: {  	s17 =	sadd.s32 $0x43800, s6;
	[dreg:$0x11] =	wrdreg s16  }
0x19: {  	s19 =	sadd.s32 $0x4000, s6;
	[dreg:$0x12] =	wrdreg s17  }
0x1a: {  	s20 =	sadd.s32 $0x44000, s6;
	[dreg:$0x14] =	wrdreg s19  }
0x1b: {  	s21 =	sadd.s32 $0x44800, s6;
	[dreg:$0x15] =	wrdreg s20  }
0x1c: {  	s24 =	sadd.s32 $0x5000, s6;
	[dreg:$0x16] =	wrdreg s21  }
0x1d: {  	s25 =	sadd.s32 $0x45000, s6;
	[dreg:$0x19] =	wrdreg s24  }
0x1e: {  	s4 =	sadd.s32 $0x6000, s6;
	[dreg:$0x1a] =	wrdreg s25  }
0x1f: {  	s5 =	sadd.s32 $0x46000, s6;
	[dreg:$0x1d] =	wrdreg s4  }
0x20: {  	s10 =	sadd.s32 $0x47000, s6;
	[dreg:$0x1e] =	wrdreg s5  }
0x21: {  	s14 =	sadd.s32 $0x48000, s6;
	[smem:$0x7ED] =	sst s10  }
0x22: {  	s18 =	sadd.s32 $0x49000, s6;
	[smem:$0x7F1] =	sst s14  }
0x23: {  	s22 =	sadd.s32 $0x4A000, s6;
	[smem:$0x7F5] =	sst s18  }
0x24: {  	s23 =	sadd.s32 $0x4A800, s6;
	[smem:$0x7F9] =	sst s22  }
0x25: {  	s26 =	sadd.s32 $0x45800, s6;
	[smem:$0x7FA] =	sst s23  }
0x26: {  	s1 =	sadd.s32 $0x8000, s3;
	[dreg:$0x1b] =	wrdreg s26  }
0x27: {  	s7 =	sadd.s32 $0x46800, s6;
	[dreg:$0x1c] =	wrdreg s1  }
0x28: {  	s8 =	sadd.s32 $0x9000, s3;
	[dreg:$0x1f] =	wrdreg s7  }
0x29: {  	s9 =	sadd.s32 $0x7000, s6;
	[smem:$0x7EB] =	sst s8  }
0x2a: {  	s31 =	sadd.s32 $0xF000, s3;
	s11 =	sadd.s32 $0x47800, s6;
	[smem:$0x7EC] =	sst s9  }
0x2b: {  	s28 =	sadd.s32 $0xC000, s6;
	s12 =	sadd.s32 $0xA000, s3;
	[smem:$0x7EE] =	sst s11  }
0x2c: {  	s29 =	sadd.s32 $0x4C000, s6;
	s13 =	sadd.s32 $0x8000, s6;
	[smem:$0x7EF] =	sst s12  }
0x2d: {  	s30 =	sadd.s32 $0x4C800, s6;
	s15 =	sadd.s32 $0x48800, s6;
	[smem:$0x7F0] =	sst s13  }
0x2e: {  	s0 =	sadd.s32 $0xD000, s6;
	s16 =	sadd.s32 $0xB000, s3;
	[smem:$0x7F2] =	sst s15  }
0x2f: {  	s17 =	sadd.s32 $0x9000, s6;
	s19 =	sadd.s32 $0x49800, s6;
	[smem:$0x7F3] =	sst s16  }
0x30: {  	s20 =	sadd.s32 $0xC000, s3;
	s21 =	sadd.s32 $0xA000, s6;
	[smem:$0x7F4] =	sst s17  }
0x31: {  	s24 =	sadd.s32 $0xD000, s3;
	s25 =	sadd.s32 $0xB000, s6;
	[smem:$0x7F6] =	sst s19  }
0x32: {  	s4 =	sadd.s32 $0x4D800, s6;
	s5 =	sadd.s32 $0xE000, s6;
	[smem:$0x7F7] =	sst s20  }
0x33: {  	s10 =	sadd.s32 $0x4F000, s6;
	s14 =	simm.s32 $0x1;
	[smem:$0x7F8] =	sst s21  }
0x34: {  	s18 =	simm.s32 $0x5;
	s22 =	simm.s32 $0x0;
	[smem:$0x7FB] =	sst s24  }
0x35: {  	[smem:$0x7FC] =	sst s25;
	s26 =	sadd.s32 $0x4B000, s6;
	s25 =	sadd.s32 $0x4B800, s6  }
0x36: {  	s1 =	sadd.s32 $0x4D000, s6;
	s7 =	sadd.s32 $0x4E000, s6;
	s8 =	sadd.s32 $0x4E800, s6  }
0x37: {  	s9 =	sadd.s32 $0xF000, s6;
	s11 =	sadd.s32 $0x4F800, s6;
	s12 =	simm.s32 $0x8000  }
0x38: {  	s13 =	simm.s32 $0x10000;
	s15 =	simm.s32 $0x18000;
	s16 =	simm.s32 $0x4  }
0x39: {  	s17 =	simm.s32 $0x2;
	s19 =	simm.s32 $0x3;
	s20 =	simm.s32 $0x6  }
0x3a: {  	v0 =	vimm.f32 $0.0e+00;
	s21 =	simm.s32 $0x7;
	[smem:$0x7FD] =	sst s26;
	s26 =	sadd.s32 $0xE000, s3  }
.LBB2_1:
0x3b: {  	[tilespmem:s2], [sflag:$0x1] =	stream.linear.gather [hbm4b:s3+s2], $0x8000, $0x38;
	[tilespmem:$0x1C000] =	vst v63  }
0x3c: {  	s23 =	rddreg [dreg:$0x3]  }
0x3d: {  	[tilespmem:s12], [sflag:$0x2] =	stream.linear.gather [hbm4b:s23+s2], $0x8000, $0x38;
	[tilespmem:$0x1C000] =	vst v63  }
0x3e: {  	s24 =	rddreg [dreg:$0x4]  }
0x3f: {  	[tilespmem:s13], [sflag:$0x3] =	stream.linear.gather [hbm4b:s24+s2], $0x8000, $0x38;
	[tilespmem:$0x1C000] =	vst v63  }
0x40: {  	s23 =	simm.s32 $0x40;
	s24 =	simm.s32 $0x0  }
.LBB2_2:
0x41: {  	p0 =	sne.s32 s23, $0xFFC0;
	[tilespmem:s24+$0x18000] =	vst v0;
	s24 =	smov.u32 s23;
	s23 =	sadd.s32 $0x40, s23  }
.Ltmp0:
0x42: {  	(pc) =	sbr.rel @p0 .LBB2_2-.Ltmp0, $2  }
0x43: {  	_ =	sdelay $0x2  }
0x44: {  	s24 =	sshra.s32 s24, $0x2  }
0x45: {  	[tilespmem:s24+$0x18000] =	vst v0  }
0x46: {  	_ =	swait.ge [sflag:s14], $0x8000  }
0x47: {  	[sflag:s14] =	ssyncset.done $0x0  }
0x48: {  	[sflag:s14] =	ssyncadd.s32 $0xFFFF8000  }
0x49: {  	[hbm4b:s6+s2] =	stream.linear.scatter [tilespmem:s2], [sflag:$0x4], $0x8000, $0x38;
	[tilespmem:$0x1C000] =	vst v63  }
0x4a: {  	s23 =	rddreg [dreg:$0x5]  }
0x4b: {  	[hbm4b:s23+s2] =	stream.linear.scatter [tilespmem:s15], [sflag:$0x7], $0x4000, $0x38;
	[tilespmem:$0x1C000] =	vst v63  }
0x4c: {  	s24 =	rddreg [dreg:$0x6]  }
0x4d: {  	[hbm4b:s24+s2] =	stream.linear.scatter [tilespmem:s15], [sflag:$0x7], $0x4000, $0x38;
	[tilespmem:$0x1C000] =	vst v63  }
0x4e: {  	_ =	swait.ge [sflag:s16], $0x8000  }
0x4f: {  	[sflag:s16] =	ssyncset.done $0x0  }
0x50: {  	s24 =	rddreg [dreg:$0x7];
	[sflag:s16] =	ssyncadd.s32 $0xFFFF8000  }
0x51: {  	[tilespmem:s2], [sflag:$0x1] =	stream.linear.gather [hbm4b:s24+s2], $0x8000, $0x38;
	[tilespmem:$0x1C000] =	vst v63  }
0x52: {  	_ =	swait.ge [sflag:s17], $0x8000  }
0x53: {  	[sflag:s17] =	ssyncset.done $0x0  }
0x54: {  	s24 =	rddreg [dreg:$0x8];
	[sflag:s17] =	ssyncadd.s32 $0xFFFF8000  }
0x55: {  	[hbm4b:s24+s2] =	stream.linear.scatter [tilespmem:s12], [sflag:$0x5], $0x8000, $0x38;
	[tilespmem:$0x1C000] =	vst v63  }
0x56: {  	s24 =	rddreg [dreg:$0x9]  }
0x57: {  	[hbm4b:s24+s2] =	stream.linear.scatter [tilespmem:s15], [sflag:$0x7], $0x4000, $0x38;
	[tilespmem:$0x1C000] =	vst v63  }
0x58: {  	s24 =	rddreg [dreg:$0xa]  }
0x59: {  	[hbm4b:s24+s2] =	stream.linear.scatter [tilespmem:s15], [sflag:$0x7], $0x4000, $0x38;
	[tilespmem:$0x1C000] =	vst v63  }
0x5a: {  	_ =	swait.ge [sflag:s18], $0x8000  }
0x5b: {  	[sflag:s18] =	ssyncset.done $0x0  }
0x5c: {  	s24 =	rddreg [dreg:$0xb];
	[sflag:s18] =	ssyncadd.s32 $0xFFFF8000  }
0x5d: {  	[tilespmem:s12], [sflag:$0x2] =	stream.linear.gather [hbm4b:s24+s2], $0x8000, $0x38;
	[tilespmem:$0x1C000] =	vst v63  }
0x5e: {  	_ =	swait.ge [sflag:s19], $0x8000  }
0x5f: {  	[sflag:s19] =	ssyncset.done $0x0  }
0x60: {  	s24 =	rddreg [dreg:$0xc];
	[sflag:s19] =	ssyncadd.s32 $0xFFFF8000  }
0x61: {  	[hbm4b:s24+s2] =	stream.linear.scatter [tilespmem:s13], [sflag:$0x6], $0x8000, $0x38;
	[tilespmem:$0x1C000] =	vst v63  }
0x62: {  	s24 =	rddreg [dreg:$0xd]  }
0x63: {  	[hbm4b:s24+s2] =	stream.linear.scatter [tilespmem:s15], [sflag:$0x7], $0x4000, $0x38;
	[tilespmem:$0x1C000] =	vst v63  }
0x64: {  	s24 =	rddreg [dreg:$0xe]  }
0x65: {  	[hbm4b:s24+s2] =	stream.linear.scatter [tilespmem:s15], [sflag:$0x7], $0x4000, $0x38;
	[tilespmem:$0x1C000] =	vst v63  }
0x66: {  	_ =	swait.ge [sflag:s20], $0x8000  }
0x67: {  	[sflag:s20] =	ssyncset.done $0x0  }
0x68: {  	s24 =	rddreg [dreg:$0xf];
	[sflag:s20] =	ssyncadd.s32 $0xFFFF8000  }
0x69: {  	[tilespmem:s13], [sflag:$0x3] =	stream.linear.gather [hbm4b:s24+s2], $0x8000, $0x38;
	[tilespmem:$0x1C000] =	vst v63  }
0x6a: {  	_ =	swait.ge [sflag:s14], $0x8000  }
0x6b: {  	[sflag:s14] =	ssyncset.done $0x0  }
0x6c: {  	s24 =	rddreg [dreg:$0x10];
	[sflag:s14] =	ssyncadd.s32 $0xFFFF8000  }
0x6d: {  	[hbm4b:s24+s2] =	stream.linear.scatter [tilespmem:s2], [sflag:$0x4], $0x8000, $0x38;
	[tilespmem:$0x1C000] =	vst v63  }
0x6e: {  	s24 =	rddreg [dreg:$0x11]  }
0x6f: {  	[hbm4b:s24+s2] =	stream.linear.scatter [tilespmem:s15], [sflag:$0x7], $0x4000, $0x38;
	[tilespmem:$0x1C000] =	vst v63  }
0x70: {  	s24 =	rddreg [dreg:$0x12]  }
0x71: {  	[hbm4b:s24+s2] =	stream.linear.scatter [tilespmem:s15], [sflag:$0x7], $0x4000, $0x38;
	[tilespmem:$0x1C000] =	vst v63  }
0x72: {  	_ =	swait.ge [sflag:s16], $0x8000  }
0x73: {  	[sflag:s16] =	ssyncset.done $0x0  }
0x74: {  	s24 =	rddreg [dreg:$0x13];
	[sflag:s16] =	ssyncadd.s32 $0xFFFF8000  }
0x75: {  	[tilespmem:s2], [sflag:$0x1] =	stream.linear.gather [hbm4b:s24+s2], $0x8000, $0x38;
	[tilespmem:$0x1C000] =	vst v63  }
0x76: {  	_ =	swait.ge [sflag:s17], $0x8000  }
0x77: {  	[sflag:s17] =	ssyncset.done $0x0  }
0x78: {  	s24 =	rddreg [dreg:$0x14];
	[sflag:s17] =	ssyncadd.s32 $0xFFFF8000  }
0x79: {  	[hbm4b:s24+s2] =	stream.linear.scatter [tilespmem:s12], [sflag:$0x5], $0x8000, $0x38;
	[tilespmem:$0x1C000] =	vst v63  }
0x7a: {  	s24 =	rddreg [dreg:$0x15]  }
0x7b: {  	[hbm4b:s24+s2] =	stream.linear.scatter [tilespmem:s15], [sflag:$0x7], $0x4000, $0x38;
	[tilespmem:$0x1C000] =	vst v63  }
0x7c: {  	s24 =	rddreg [dreg:$0x16]  }
0x7d: {  	[hbm4b:s24+s2] =	stream.linear.scatter [tilespmem:s15], [sflag:$0x7], $0x4000, $0x38;
	[tilespmem:$0x1C000] =	vst v63  }
0x7e: {  	_ =	swait.ge [sflag:s18], $0x8000  }
0x7f: {  	[sflag:s18] =	ssyncset.done $0x0  }
0x80: {  	s24 =	rddreg [dreg:$0x18];
	[sflag:s18] =	ssyncadd.s32 $0xFFFF8000  }
0x81: {  	[tilespmem:s12], [sflag:$0x2] =	stream.linear.gather [hbm4b:s24+s2], $0x8000, $0x38;
	[tilespmem:$0x1C000] =	vst v63  }
0x82: {  	_ =	swait.ge [sflag:s19], $0x8000  }
0x83: {  	[sflag:s19] =	ssyncset.done $0x0  }
0x84: {  	s24 =	rddreg [dreg:$0x19];
	[sflag:s19] =	ssyncadd.s32 $0xFFFF8000  }
0x85: {  	[hbm4b:s24+s2] =	stream.linear.scatter [tilespmem:s13], [sflag:$0x6], $0x8000, $0x38;
	[tilespmem:$0x1C000] =	vst v63  }
0x86: {  	s24 =	rddreg [dreg:$0x1a]  }
0x87: {  	[hbm4b:s24+s2] =	stream.linear.scatter [tilespmem:s15], [sflag:$0x7], $0x4000, $0x38;
	[tilespmem:$0x1C000] =	vst v63  }
0x88: {  	s24 =	rddreg [dreg:$0x1b]  }
0x89: {  	[hbm4b:s24+s2] =	stream.linear.scatter [tilespmem:s15], [sflag:$0x7], $0x4000, $0x38;
	[tilespmem:$0x1C000] =	vst v63  }
0x8a: {  	_ =	swait.ge [sflag:s20], $0x8000  }
0x8b: {  	[sflag:s20] =	ssyncset.done $0x0  }
0x8c: {  	s24 =	rddreg [dreg:$0x1c];
	[sflag:s20] =	ssyncadd.s32 $0xFFFF8000  }
0x8d: {  	[tilespmem:s13], [sflag:$0x3] =	stream.linear.gather [hbm4b:s24+s2], $0x8000, $0x38;
	[tilespmem:$0x1C000] =	vst v63  }
0x8e: {  	_ =	swait.ge [sflag:s14], $0x8000  }
0x8f: {  	[sflag:s14] =	ssyncset.done $0x0  }
0x90: {  	s24 =	rddreg [dreg:$0x1d];
	[sflag:s14] =	ssyncadd.s32 $0xFFFF8000  }
0x91: {  	[hbm4b:s24+s2] =	stream.linear.scatter [tilespmem:s2], [sflag:$0x4], $0x8000, $0x38;
	[tilespmem:$0x1C000] =	vst v63  }
0x92: {  	s24 =	rddreg [dreg:$0x1e]  }
0x93: {  	[hbm4b:s24+s2] =	stream.linear.scatter [tilespmem:s15], [sflag:$0x7], $0x4000, $0x38;
	[tilespmem:$0x1C000] =	vst v63  }
0x94: {  	s24 =	rddreg [dreg:$0x1f]  }
0x95: {  	[hbm4b:s24+s2] =	stream.linear.scatter [tilespmem:s15], [sflag:$0x7], $0x4000, $0x38;
	[tilespmem:$0x1C000] =	vst v63  }
0x96: {  	_ =	swait.ge [sflag:s16], $0x8000  }
0x97: {  	s24 =	sld [smem:$0x7EB]  }
0x98: {  	[sflag:s16] =	ssyncset.done $0x0  }
0x99: {  	[sflag:s16] =	ssyncadd.s32 $0xFFFF8000  }
0x9a: {  	[tilespmem:s2], [sflag:$0x1] =	stream.linear.gather [hbm4b:s24+s2], $0x8000, $0x38;
	[tilespmem:$0x1C000] =	vst v63  }
0x9b: {  	_ =	swait.ge [sflag:s17], $0x8000  }
0x9c: {  	s24 =	sld [smem:$0x7EC]  }
0x9d: {  	[sflag:s17] =	ssyncset.done $0x0  }
0x9e: {  	[sflag:s17] =	ssyncadd.s32 $0xFFFF8000  }
0x9f: {  	[hbm4b:s24+s2] =	stream.linear.scatter [tilespmem:s12], [sflag:$0x5], $0x8000, $0x38;
	[tilespmem:$0x1C000] =	vst v63  }
0xa0: {  	s24 =	sld [smem:$0x7ED];
	_ =	sdelay $0x2  }
0xa1: {  	[hbm4b:s24+s2] =	stream.linear.scatter [tilespmem:s15], [sflag:$0x7], $0x4000, $0x38;
	[tilespmem:$0x1C000] =	vst v63  }
0xa2: {  	s24 =	sld [smem:$0x7EE];
	_ =	sdelay $0x2  }
0xa3: {  	[hbm4b:s24+s2] =	stream.linear.scatter [tilespmem:s15], [sflag:$0x7], $0x4000, $0x38;
	[tilespmem:$0x1C000] =	vst v63  }
0xa4: {  	_ =	swait.ge [sflag:s18], $0x8000  }
0xa5: {  	s24 =	sld [smem:$0x7EF]  }
0xa6: {  	[sflag:s18] =	ssyncset.done $0x0  }
0xa7: {  	[sflag:s18] =	ssyncadd.s32 $0xFFFF8000  }
0xa8: {  	[tilespmem:s12], [sflag:$0x2] =	stream.linear.gather [hbm4b:s24+s2], $0x8000, $0x38;
	[tilespmem:$0x1C000] =	vst v63  }
0xa9: {  	_ =	swait.ge [sflag:s19], $0x8000  }
0xaa: {  	s24 =	sld [smem:$0x7F0]  }
0xab: {  	[sflag:s19] =	ssyncset.done $0x0  }
0xac: {  	[sflag:s19] =	ssyncadd.s32 $0xFFFF8000  }
0xad: {  	[hbm4b:s24+s2] =	stream.linear.scatter [tilespmem:s13], [sflag:$0x6], $0x8000, $0x38;
	[tilespmem:$0x1C000] =	vst v63  }
0xae: {  	s24 =	sld [smem:$0x7F1];
	_ =	sdelay $0x2  }
0xaf: {  	[hbm4b:s24+s2] =	stream.linear.scatter [tilespmem:s15], [sflag:$0x7], $0x4000, $0x38;
	[tilespmem:$0x1C000] =	vst v63  }
0xb0: {  	s24 =	sld [smem:$0x7F2];
	_ =	sdelay $0x2  }
0xb1: {  	[hbm4b:s24+s2] =	stream.linear.scatter [tilespmem:s15], [sflag:$0x7], $0x4000, $0x38;
	[tilespmem:$0x1C000] =	vst v63  }
0xb2: {  	_ =	swait.ge [sflag:s20], $0x8000  }
0xb3: {  	s24 =	sld [smem:$0x7F3]  }
0xb4: {  	[sflag:s20] =	ssyncset.done $0x0  }
0xb5: {  	[sflag:s20] =	ssyncadd.s32 $0xFFFF8000  }
0xb6: {  	[tilespmem:s13], [sflag:$0x3] =	stream.linear.gather [hbm4b:s24+s2], $0x8000, $0x38;
	[tilespmem:$0x1C000] =	vst v63  }
0xb7: {  	_ =	swait.ge [sflag:s14], $0x8000  }
0xb8: {  	s24 =	sld [smem:$0x7F4]  }
0xb9: {  	[sflag:s14] =	ssyncset.done $0x0  }
0xba: {  	[sflag:s14] =	ssyncadd.s32 $0xFFFF8000  }
0xbb: {  	[hbm4b:s24+s2] =	stream.linear.scatter [tilespmem:s2], [sflag:$0x4], $0x8000, $0x38;
	[tilespmem:$0x1C000] =	vst v63  }
0xbc: {  	s24 =	sld [smem:$0x7F5];
	_ =	sdelay $0x2  }
0xbd: {  	[hbm4b:s24+s2] =	stream.linear.scatter [tilespmem:s15], [sflag:$0x7], $0x4000, $0x38;
	[tilespmem:$0x1C000] =	vst v63  }
0xbe: {  	s24 =	sld [smem:$0x7F6];
	_ =	sdelay $0x2  }
0xbf: {  	[hbm4b:s24+s2] =	stream.linear.scatter [tilespmem:s15], [sflag:$0x7], $0x4000, $0x38;
	[tilespmem:$0x1C000] =	vst v63  }
0xc0: {  	_ =	swait.ge [sflag:s16], $0x8000  }
0xc1: {  	s24 =	sld [smem:$0x7F7]  }
0xc2: {  	[sflag:s16] =	ssyncset.done $0x0  }
0xc3: {  	[sflag:s16] =	ssyncadd.s32 $0xFFFF8000  }
0xc4: {  	[tilespmem:s2], [sflag:$0x1] =	stream.linear.gather [hbm4b:s24+s2], $0x8000, $0x38;
	[tilespmem:$0x1C000] =	vst v63  }
0xc5: {  	_ =	swait.ge [sflag:s17], $0x8000  }
0xc6: {  	s24 =	sld [smem:$0x7F8]  }
0xc7: {  	[sflag:s17] =	ssyncset.done $0x0  }
0xc8: {  	[sflag:s17] =	ssyncadd.s32 $0xFFFF8000  }
0xc9: {  	[hbm4b:s24+s2] =	stream.linear.scatter [tilespmem:s12], [sflag:$0x5], $0x8000, $0x38;
	[tilespmem:$0x1C000] =	vst v63  }
0xca: {  	s24 =	sld [smem:$0x7F9];
	_ =	sdelay $0x2  }
0xcb: {  	[hbm4b:s24+s2] =	stream.linear.scatter [tilespmem:s15], [sflag:$0x7], $0x4000, $0x38;
	[tilespmem:$0x1C000] =	vst v63  }
0xcc: {  	s24 =	sld [smem:$0x7FA];
	_ =	sdelay $0x2  }
0xcd: {  	[hbm4b:s24+s2] =	stream.linear.scatter [tilespmem:s15], [sflag:$0x7], $0x4000, $0x38;
	[tilespmem:$0x1C000] =	vst v63  }
0xce: {  	_ =	swait.ge [sflag:s18], $0x8000  }
0xcf: {  	s24 =	sld [smem:$0x7FB]  }
0xd0: {  	[sflag:s18] =	ssyncset.done $0x0  }
0xd1: {  	[sflag:s18] =	ssyncadd.s32 $0xFFFF8000  }
0xd2: {  	[tilespmem:s12], [sflag:$0x2] =	stream.linear.gather [hbm4b:s24+s2], $0x8000, $0x38;
	[tilespmem:$0x1C000] =	vst v63  }
0xd3: {  	_ =	swait.ge [sflag:s19], $0x8000  }
0xd4: {  	s24 =	sld [smem:$0x7FC]  }
0xd5: {  	[sflag:s19] =	ssyncset.done $0x0  }
0xd6: {  	[sflag:s19] =	ssyncadd.s32 $0xFFFF8000  }
0xd7: {  	[hbm4b:s24+s2] =	stream.linear.scatter [tilespmem:s13], [sflag:$0x6], $0x8000, $0x38;
	[tilespmem:$0x1C000] =	vst v63  }
0xd8: {  	s24 =	sld [smem:$0x7FD];
	_ =	sdelay $0x2  }
0xd9: {  	[hbm4b:s24+s2] =	stream.linear.scatter [tilespmem:s15], [sflag:$0x7], $0x4000, $0x38;
	[tilespmem:$0x1C000] =	vst v63  }
0xda: {  	_ = 	snop  }
0xdb: {  	[hbm4b:s25+s2] =	stream.linear.scatter [tilespmem:s15], [sflag:$0x7], $0x4000, $0x38;
	[tilespmem:$0x1C000] =	vst v63  }
0xdc: {  	_ =	swait.ge [sflag:s20], $0x8000  }
0xdd: {  	[sflag:s20] =	ssyncset.done $0x0  }
0xde: {  	[sflag:s20] =	ssyncadd.s32 $0xFFFF8000  }
0xdf: {  	[tilespmem:s13], [sflag:$0x3] =	stream.linear.gather [hbm4b:s26+s2], $0x8000, $0x38;
	[tilespmem:$0x1C000] =	vst v63  }
0xe0: {  	_ =	swait.ge [sflag:s14], $0x8000  }
0xe1: {  	[sflag:s14] =	ssyncset.done $0x0  }
0xe2: {  	[sflag:s14] =	ssyncadd.s32 $0xFFFF8000  }
0xe3: {  	[hbm4b:s28+s2] =	stream.linear.scatter [tilespmem:s2], [sflag:$0x4], $0x8000, $0x38;
	[tilespmem:$0x1C000] =	vst v63  }
0xe4: {  	_ = 	snop  }
0xe5: {  	[hbm4b:s29+s2] =	stream.linear.scatter [tilespmem:s15], [sflag:$0x7], $0x4000, $0x38;
	[tilespmem:$0x1C000] =	vst v63  }
0xe6: {  	_ = 	snop  }
0xe7: {  	[hbm4b:s30+s2] =	stream.linear.scatter [tilespmem:s15], [sflag:$0x7], $0x4000, $0x38;
	[tilespmem:$0x1C000] =	vst v63  }
0xe8: {  	_ =	swait.ge [sflag:s16], $0x8000  }
0xe9: {  	[sflag:s16] =	ssyncset.done $0x0  }
0xea: {  	[sflag:s16] =	ssyncadd.s32 $0xFFFF8000  }
0xeb: {  	[tilespmem:s2], [sflag:$0x1] =	stream.linear.gather [hbm4b:s31+s2], $0x8000, $0x38;
	[tilespmem:$0x1C000] =	vst v63  }
0xec: {  	_ =	swait.ge [sflag:s17], $0x8000  }
0xed: {  	[sflag:s17] =	ssyncset.done $0x0  }
0xee: {  	[sflag:s17] =	ssyncadd.s32 $0xFFFF8000  }
0xef: {  	[hbm4b:s0+s2] =	stream.linear.scatter [tilespmem:s12], [sflag:$0x5], $0x8000, $0x38;
	[tilespmem:$0x1C000] =	vst v63  }
0xf0: {  	_ = 	snop  }
0xf1: {  	[hbm4b:s1+s2] =	stream.linear.scatter [tilespmem:s15], [sflag:$0x7], $0x4000, $0x38;
	[tilespmem:$0x1C000] =	vst v63  }
0xf2: {  	_ = 	snop  }
0xf3: {  	[hbm4b:s4+s2] =	stream.linear.scatter [tilespmem:s15], [sflag:$0x7], $0x4000, $0x38;
	[tilespmem:$0x1C000] =	vst v63  }
0xf4: {  	_ =	swait.ge [sflag:s19], $0x8000  }
0xf5: {  	[sflag:s19] =	ssyncset.done $0x0  }
0xf6: {  	[sflag:s19] =	ssyncadd.s32 $0xFFFF8000  }
0xf7: {  	[hbm4b:s5+s2] =	stream.linear.scatter [tilespmem:s13], [sflag:$0x6], $0x8000, $0x38;
	[tilespmem:$0x1C000] =	vst v63  }
0xf8: {  	_ = 	snop  }
0xf9: {  	[hbm4b:s7+s2] =	stream.linear.scatter [tilespmem:s15], [sflag:$0x7], $0x4000, $0x38;
	[tilespmem:$0x1C000] =	vst v63  }
0xfa: {  	_ = 	snop  }
0xfb: {  	[hbm4b:s8+s2] =	stream.linear.scatter [tilespmem:s15], [sflag:$0x7], $0x4000, $0x38;
	[tilespmem:$0x1C000] =	vst v63  }
0xfc: {  	_ =	swait.ge [sflag:s14], $0x8000  }
0xfd: {  	[sflag:s14] =	ssyncset.done $0x0  }
0xfe: {  	[sflag:s14] =	ssyncadd.s32 $0xFFFF8000  }
0xff: {  	[hbm4b:s9+s2] =	stream.linear.scatter [tilespmem:s2], [sflag:$0x4], $0x8000, $0x38;
	[tilespmem:$0x1C000] =	vst v63  }
0x100: {  	_ = 	snop  }
0x101: {  	[hbm4b:s10+s2] =	stream.linear.scatter [tilespmem:s15], [sflag:$0x7], $0x4000, $0x38;
	[tilespmem:$0x1C000] =	vst v63  }
0x102: {  	_ = 	snop  }
0x103: {  	[hbm4b:s11+s2] =	stream.linear.scatter [tilespmem:s15], [sflag:$0x7], $0x4000, $0x38;
	[tilespmem:$0x1C000] =	vst v63  }
0x104: {  	_ =	swait.ge [sflag:s18], $0x8000  }
0x105: {  	[sflag:s18] =	ssyncset.done $0x0  }
0x106: {  	[sflag:s18] =	ssyncadd.s32 $0xFFFF8000  }
0x107: {  	_ =	swait.ge [sflag:s20], $0x8000  }
0x108: {  	[sflag:s20] =	ssyncset.done $0x0  }
0x109: {  	[sflag:s20] =	ssyncadd.s32 $0xFFFF8000  }
0x10a: {  	_ =	swait.ge [sflag:s16], $0x8000  }
0x10b: {  	[sflag:s16] =	ssyncset.done $0x0  }
0x10c: {  	[sflag:s16] =	ssyncadd.s32 $0xFFFF8000  }
0x10d: {  	_ =	swait.ge [sflag:s21], $0x4000  }
0x10e: {  	[sflag:s21] =	ssyncset.done $0x0  }
0x10f: {  	[sflag:s21] =	ssyncadd.s32 $0xFFFFC000  }
0x110: {  	_ =	swait.ge [sflag:s21], $0x4000  }
0x111: {  	[sflag:s21] =	ssyncset.done $0x0  }
0x112: {  	[sflag:s21] =	ssyncadd.s32 $0xFFFFC000  }
0x113: {  	_ =	swait.ge [sflag:s21], $0x4000  }
0x114: {  	[sflag:s21] =	ssyncset.done $0x0  }
0x115: {  	[sflag:s21] =	ssyncadd.s32 $0xFFFFC000  }
0x116: {  	_ =	swait.ge [sflag:s21], $0x4000  }
0x117: {  	[sflag:s21] =	ssyncset.done $0x0  }
0x118: {  	[sflag:s21] =	ssyncadd.s32 $0xFFFFC000  }
0x119: {  	_ =	swait.ge [sflag:s21], $0x4000  }
0x11a: {  	[sflag:s21] =	ssyncset.done $0x0  }
0x11b: {  	[sflag:s21] =	ssyncadd.s32 $0xFFFFC000  }
0x11c: {  	_ =	swait.ge [sflag:s21], $0x4000  }
0x11d: {  	[sflag:s21] =	ssyncset.done $0x0  }
0x11e: {  	[sflag:s21] =	ssyncadd.s32 $0xFFFFC000  }
0x11f: {  	_ =	swait.ge [sflag:s21], $0x4000  }
0x120: {  	[sflag:s21] =	ssyncset.done $0x0  }
0x121: {  	[sflag:s21] =	ssyncadd.s32 $0xFFFFC000  }
0x122: {  	_ =	swait.ge [sflag:s21], $0x4000  }
0x123: {  	[sflag:s21] =	ssyncset.done $0x0  }
0x124: {  	[sflag:s21] =	ssyncadd.s32 $0xFFFFC000  }
0x125: {  	_ =	swait.ge [sflag:s21], $0x4000  }
0x126: {  	[sflag:s21] =	ssyncset.done $0x0  }
0x127: {  	[sflag:s21] =	ssyncadd.s32 $0xFFFFC000  }
0x128: {  	_ =	swait.ge [sflag:s21], $0x4000  }
0x129: {  	[sflag:s21] =	ssyncset.done $0x0  }
0x12a: {  	[sflag:s21] =	ssyncadd.s32 $0xFFFFC000  }
0x12b: {  	_ =	swait.ge [sflag:s21], $0x4000  }
0x12c: {  	[sflag:s21] =	ssyncset.done $0x0  }
0x12d: {  	[sflag:s21] =	ssyncadd.s32 $0xFFFFC000  }
0x12e: {  	_ =	swait.ge [sflag:s21], $0x4000  }
0x12f: {  	[sflag:s21] =	ssyncset.done $0x0  }
0x130: {  	[sflag:s21] =	ssyncadd.s32 $0xFFFFC000  }
0x131: {  	_ =	swait.ge [sflag:s21], $0x4000  }
0x132: {  	[sflag:s21] =	ssyncset.done $0x0  }
0x133: {  	[sflag:s21] =	ssyncadd.s32 $0xFFFFC000  }
0x134: {  	_ =	swait.ge [sflag:s21], $0x4000  }
0x135: {  	[sflag:s21] =	ssyncset.done $0x0  }
0x136: {  	[sflag:s21] =	ssyncadd.s32 $0xFFFFC000  }
0x137: {  	_ =	swait.ge [sflag:s21], $0x4000  }
0x138: {  	[sflag:s21] =	ssyncset.done $0x0  }
0x139: {  	[sflag:s21] =	ssyncadd.s32 $0xFFFFC000  }
0x13a: {  	_ =	swait.ge [sflag:s21], $0x4000  }
0x13b: {  	[sflag:s21] =	ssyncset.done $0x0  }
0x13c: {  	[sflag:s21] =	ssyncadd.s32 $0xFFFFC000  }
0x13d: {  	_ =	swait.ge [sflag:s21], $0x4000  }
0x13e: {  	[sflag:s21] =	ssyncset.done $0x0  }
0x13f: {  	[sflag:s21] =	ssyncadd.s32 $0xFFFFC000  }
0x140: {  	_ =	swait.ge [sflag:s21], $0x4000  }
0x141: {  	[sflag:s21] =	ssyncset.done $0x0  }
0x142: {  	[sflag:s21] =	ssyncadd.s32 $0xFFFFC000  }
0x143: {  	_ =	swait.ge [sflag:s21], $0x4000  }
0x144: {  	[sflag:s21] =	ssyncset.done $0x0  }
0x145: {  	[sflag:s21] =	ssyncadd.s32 $0xFFFFC000  }
0x146: {  	_ =	swait.ge [sflag:s21], $0x4000  }
0x147: {  	[sflag:s21] =	ssyncset.done $0x0  }
0x148: {  	[sflag:s21] =	ssyncadd.s32 $0xFFFFC000  }
0x149: {  	_ =	swait.ge [sflag:s21], $0x4000  }
0x14a: {  	[sflag:s21] =	ssyncset.done $0x0  }
0x14b: {  	[sflag:s21] =	ssyncadd.s32 $0xFFFFC000  }
0x14c: {  	_ =	swait.ge [sflag:s21], $0x4000  }
0x14d: {  	[sflag:s21] =	ssyncset.done $0x0  }
0x14e: {  	[sflag:s21] =	ssyncadd.s32 $0xFFFFC000  }
0x14f: {  	_ =	swait.ge [sflag:s21], $0x4000  }
0x150: {  	[sflag:s21] =	ssyncset.done $0x0  }
0x151: {  	[sflag:s21] =	ssyncadd.s32 $0xFFFFC000  }
0x152: {  	_ =	swait.ge [sflag:s21], $0x4000  }
0x153: {  	[sflag:s21] =	ssyncset.done $0x0  }
0x154: {  	[sflag:s21] =	ssyncadd.s32 $0xFFFFC000  }
0x155: {  	_ =	swait.ge [sflag:s21], $0x4000  }
0x156: {  	[sflag:s21] =	ssyncset.done $0x0  }
0x157: {  	[sflag:s21] =	ssyncadd.s32 $0xFFFFC000  }
0x158: {  	_ =	swait.ge [sflag:s21], $0x4000  }
0x159: {  	[sflag:s21] =	ssyncset.done $0x0  }
0x15a: {  	[sflag:s21] =	ssyncadd.s32 $0xFFFFC000  }
0x15b: {  	_ =	swait.ge [sflag:s21], $0x4000  }
0x15c: {  	[sflag:s21] =	ssyncset.done $0x0  }
0x15d: {  	[sflag:s21] =	ssyncadd.s32 $0xFFFFC000  }
0x15e: {  	_ =	swait.ge [sflag:s21], $0x4000  }
0x15f: {  	[sflag:s21] =	ssyncset.done $0x0  }
0x160: {  	[sflag:s21] =	ssyncadd.s32 $0xFFFFC000  }
0x161: {  	_ =	swait.ge [sflag:s21], $0x4000  }
0x162: {  	[sflag:s21] =	ssyncset.done $0x0  }
0x163: {  	[sflag:s21] =	ssyncadd.s32 $0xFFFFC000  }
0x164: {  	_ =	swait.ge [sflag:s21], $0x4000  }
0x165: {  	[sflag:s21] =	ssyncset.done $0x0  }
0x166: {  	[sflag:s21] =	ssyncadd.s32 $0xFFFFC000  }
0x167: {  	_ =	swait.ge [sflag:s21], $0x4000  }
0x168: {  	[sflag:s21] =	ssyncset.done $0x0  }
0x169: {  	[sflag:s21] =	ssyncadd.s32 $0xFFFFC000  }
0x16a: {  	_ =	swait.ge [sflag:s21], $0x4000  }
0x16b: {  	s22 =	sadd.s32 $0x1, s22;
	s24 =	rddreg [dreg:$0x17]  }
0x16c: {  	p0 =	sne.s32 s22, s24  }
.Ltmp1:
0x16d: {  	_ = 	snop;
	(pc) =	sbr.rel @p0 .LBB2_1-.Ltmp1, $3  }
0x16e: {  	_ =	sdelay $0x1  }
0x16f: {  	[sflag:s21] =	ssyncset.done $0x0  }
0x170: {  	[sflag:s21] =	ssyncadd.s32 $0xFFFFC000  }
0x171: {  	_ =	sfence.sel $0x180000  }
0x172: {  	[bflag:$0x0] =	sbarrier.arrive $0xFFFF  }
0x173: {  	_ =	strace $0x90000047  }
0x174: {  	s0 =	stileid.u32;
	[bflag:$0x2] =	sbarrier.arrive $0xFFFF  }
0x175: {  	p0 =	sne.s32 s0, $0x0;
	s0 =	rddreg [dreg:$0x2]  }
0x176: {  	s0 =	sadd.s32 @!p0 $0x100000, s0  }
0x177: {  	[sflag:s0] =	ssyncadd.tile.s32 @!p0 $0x1;
	_ =	shalt  }
.Lfunc_end2:
_tile_overlayer_lowered:
.L_overlay_start_2:
0x178: {  	(tag) =	ssettag $0x2  }
0x179: {  	s0 =	rddreg [dreg:$0x0];
	s2 =	stileid.u32  }
0x17a: {  	s1 =	rddreg [dreg:$0x1];
	p0 =	sne.s32 s2, $0x0  }
0x17b: {  	s3 =	rddreg [dreg:$0x2];
	[bflag:$0x3] =	sbarrier.arrive $0xFFFF;
	s2 =	simm.s32 @!p0 $0x1C08  }
0x17c: {  	[timem:s3], [sflag:s2] =	dma.local @!p0 [hbm:s0], s1  }
0x17d: {  	s0 =	simm.s32 @!p0 $0x8  }
0x17e: {  	_ =	swait.ge @!p0 [sflag:s0], s1  }
0x17f: {  	s1 =	ssub.s32 @!p0 $0x0, s1;
	[sflag:s0] =	ssyncset.done @!p0 $0x0  }
0x180: {  	[sflag:s0] =	ssyncadd.s32 @!p0 s1  }
0x181: {  	[bflag:$0x3] =	sbarrier.arrive $0xFFFF  }
0x182: {  	_ =	shalt  }

</sc_bundles>
